<compile_context>
chip_gen: v7x
topology: tpu7x:2x2x1
jax: 0.10.2.dev20260603
libtpu: 0.0.44.dev20260713+nightly
codegen_flags: <defaults>
</compile_context>

<pallas_src>
import jax
import jax.numpy as jnp
from jax import lax
from jax.experimental import pallas as pl
from jax.experimental.pallas import tpu as pltpu
from jax.experimental.pallas import tpu_sc as plsc

D_IN = 1024
NL = 32768
NT = 32
K = 32
BL = 2048
NB = NL // BL
G = 128
NG = NL // G
NG_BLK = BL // G


def _enc_body(x_ref, w_ref, b_ref, pre_ref, gmax_ref):
    pre = lax.dot_general(
        x_ref[...], w_ref[...],
        dimension_numbers=(((1,), (1,)), ((), ())),
        preferred_element_type=jnp.float32,
    ) + b_ref[...]
    pre_ref[...] = pre
    cols = [jnp.max(pre[:, g * G:(g + 1) * G], axis=1, keepdims=True)
            for g in range(NG_BLK)]
    gmax_ref[0] = jnp.concatenate(cols, axis=1)


def _encode(x, w_enc, b_enc2d):
    return pl.pallas_call(
        _enc_body,
        grid=(NB,),
        in_specs=[
            pl.BlockSpec((NT, D_IN), lambda i: (0, 0)),
            pl.BlockSpec((BL, D_IN), lambda i: (i, 0)),
            pl.BlockSpec((1, BL), lambda i: (0, i)),
        ],
        out_specs=[
            pl.BlockSpec((NT, BL), lambda i: (0, i)),
            pl.BlockSpec((1, NT, NG_BLK), lambda i: (i, 0, 0)),
        ],
        out_shape=[
            jax.ShapeDtypeStruct((NT, NL), jnp.float32),
            jax.ShapeDtypeStruct((NB, NT, NG_BLK), jnp.float32),
        ],
        compiler_params=pltpu.CompilerParams(
            dimension_semantics=("arbitrary",),
        ),
    )(x, w_enc, b_enc2d)



NC = 2
NS = 16
L = 16
NEG = float("-inf")
BIGI = NL


def _scalar_tree(vec, combine):
    vals = [vec[i] for i in range(L)]
    while len(vals) > 1:
        vals = [combine(vals[i], vals[i + 1]) for i in range(0, len(vals) - 1, 2)] \
            + ([vals[-1]] if len(vals) % 2 else [])
    return vals[0]


def _merge_tree(pairs):
    while len(pairs) > 1:
        nxt = []
        for i in range(0, len(pairs) - 1, 2):
            am, ag = pairs[i]
            bm, bg = pairs[i + 1]
            takeb = (bm > am) | ((bm == am) & (bg < ag))
            nxt.append((jnp.where(takeb, bm, am), jnp.where(takeb, bg, ag)))
        if len(pairs) % 2:
            nxt.append(pairs[-1])
        pairs = nxt
    return pairs[0]


def _sc_body(pre_hbm, gmax_hbm, wdec_hbm, bdec_hbm, out_hbm,
             row_v, gmax_v, rows_v, y_v, sem, gsem):
    wid = lax.axis_index("s") * NC + lax.axis_index("c")
    row_cp = pltpu.make_async_copy(pre_hbm.at[wid], row_v, sem)
    row_cp.start()
    pltpu.sync_copy(gmax_hbm.at[:, wid], gmax_v)
    pltpu.sync_copy(bdec_hbm, y_v)
    row_cp.wait()

    lanes = lax.iota(jnp.int32, L)

    def select_one(k, carry):
        i0, i1, v0, v1 = carry
        mv, gv = _merge_tree(
            [(gmax_v[c, pl.ds(0, L)], lanes + c * L)
             for c in range(NG // L)])
        m, g = _merge_tree([(mv[i], gv[i]) for i in range(L)])
        base = g * G
        ec = jnp.full((L,), BIGI, jnp.int32)
        m1 = jnp.full((L,), NEG, jnp.float32)
        m2 = jnp.full((L,), NEG, jnp.float32)
        for j in range(G // L):
            chunk = row_v[pl.ds(base + j * L, L)]
            ec = jnp.minimum(ec, jnp.where(chunk == m, lanes + (j * L), BIGI))
            m2 = jnp.maximum(m2, jnp.minimum(m1, chunk))
            m1 = jnp.maximum(m1, chunk)
        off = _scalar_tree(ec, jnp.minimum)
        e = base + off
        i0 = jnp.where(lanes == k, e, i0)
        i1 = jnp.where(lanes == k - L, e, i1)
        v0 = jnp.where(lanes == k, m, v0)
        v1 = jnp.where(lanes == k - L, m, v1)
        pltpu.make_async_copy(wdec_hbm.at[e], rows_v.at[k], gsem).start()
        cid = (e // L) * L
        chunk = row_v[pl.ds(cid, L)]
        row_v[pl.ds(cid, L)] = jnp.where(lanes == e - cid, NEG, chunk)
        lane_e = off - (off // L) * L
        nm = _scalar_tree(jnp.where(lanes == lane_e, m2, m1), jnp.maximum)
        gr = g // L
        gchunk = gmax_v[gr, pl.ds(0, L)]
        gmax_v[gr, pl.ds(0, L)] = jnp.where(lanes == g - gr * L, nm, gchunk)
        return i0, i1, v0, v1

    zi = jnp.zeros((L,), jnp.int32)
    zf = jnp.zeros((L,), jnp.float32)
    i0, i1, v0, v1 = lax.fori_loop(0, K, select_one, (zi, zi, zf, zf))

    a = [jnp.full((L,), v0[k] if k < L else v1[k - L], jnp.float32)
         for k in range(K)]
    pltpu.make_async_copy(wdec_hbm.at[pl.ds(0, K)], rows_v, gsem).wait()

    def acc(j, c):
        off = j * L
        parts = [y_v[pl.ds(off, L)]] + [None] * 3
        for k in range(K):
            p = k % 4
            term = a[k] * rows_v[k, pl.ds(off, L)]
            parts[p] = term if parts[p] is None else parts[p] + term
        y_v[pl.ds(off, L)] = (parts[0] + parts[1]) + (parts[2] + parts[3])
        return c

    lax.fori_loop(0, D_IN // L, acc, 0)

    pltpu.sync_copy(y_v, out_hbm.at[wid])


def _decode(pre, gmax, w_dec, b_dec):
    mesh = plsc.VectorSubcoreMesh(core_axis_name="c", subcore_axis_name="s",
                                  num_cores=NC, num_subcores=NS)
    f = pl.kernel(
        _sc_body,
        out_type=jax.ShapeDtypeStruct((NT, D_IN), jnp.float32),
        mesh=mesh,
        scratch_types=[
            pltpu.VMEM((NL,), jnp.float32),
            pltpu.VMEM((NB, NG_BLK), jnp.float32),
            pltpu.VMEM((K, D_IN), jnp.float32),
            pltpu.VMEM((D_IN,), jnp.float32),
            pltpu.SemaphoreType.DMA,
            pltpu.SemaphoreType.DMA,
        ],
    )
    return f(pre, gmax, w_dec, b_dec)


def kernel(x, W_enc, b_enc, W_dec, b_dec):
    pre, gmax3d = _encode(x, W_enc, b_enc.reshape(1, NL))
    return _decode(pre, gmax3d, W_dec, b_dec)

# --- scband reference (transcript-rebuilt; emitter-appended) ---
"""Pipeline reference for scband-sae-79336635892535 (READ-ONLY COPY).

The authoritative reference and input builder live on the scoring server;
editing this copy changes nothing except your own understanding.
"""

import jax, jax.numpy as jnp
import numpy as np

D_IN = 1024
NUM_LATENTS = 32768
K = 32
N_TOKENS = 32

def setup_inputs(seed: int = 0) -> dict:
    key = jax.random.key(seed)
    k1, k2 = jax.random.split(key, 2)
    x = jax.random.normal(k1, (N_TOKENS, D_IN), dtype=jnp.float32)
    # encoder weight, kaiming-ish init like nn.Linear
    W_enc = jax.random.normal(k2, (NUM_LATENTS, D_IN), dtype=jnp.float32) * (1.0 / np.sqrt(D_IN))
    b_enc = jnp.zeros((NUM_LATENTS,), dtype=jnp.float32)
    # W_dec = clone of encoder weight, rows normalized to unit norm
    eps = jnp.finfo(jnp.float32).eps
    norm = jnp.linalg.norm(W_enc, axis=1, keepdims=True)
    W_dec = W_enc / (norm + eps)
    b_dec = jnp.zeros((D_IN,), dtype=jnp.float32)
    return {"x": x, "W_enc": W_enc, "b_enc": b_enc, "W_dec": W_dec, "b_dec": b_dec}

def reference(x, W_enc, b_enc, W_dec, b_dec):
    # encode: linear -> topk -> scatter back into dense latent vector
    pre = x @ W_enc.T + b_enc                      # [N, num_latents]
    top_acts, top_indices = jax.lax.top_k(pre, K)  # [N, K] each
    rows = jnp.arange(pre.shape[0])[:, None]
    latents = jnp.zeros_like(pre).at[rows, top_indices].set(top_acts)
    # decode
    y = latents @ W_dec + b_dec                    # [N, d_in]
    return y

if __name__ == "__main__":
    import jax
    _d = setup_inputs()
    print(jax.jit(kernel)(*tuple(_d.values())))

</pallas_src>

<mosaic_0001>
#map = affine_map<(d0, d1) -> (0, 0)>
#map1 = affine_map<(d0, d1) -> (0, 0, 0)>
#map2 = affine_map<(d0, d1) -> (0)>
module attributes {stable_mosaic.version = 14 : i64} {
  func.func @_sc_body(%arg0: i32, %arg1: i32, %arg2: memref<32x32768xf32, #tpu.memory_space<hbm>>, %arg3: memref<16x32x16xf32, #tpu.memory_space<hbm>>, %arg4: memref<32768x1024xf32, #tpu.memory_space<hbm>>, %arg5: memref<1024xf32, #tpu.memory_space<hbm>>, %arg6: memref<32x1024xf32, #tpu.memory_space<hbm>>, %arg7: memref<32768xf32, #tpu.memory_space<vmem>>, %arg8: memref<16x16xf32, #tpu.memory_space<vmem>>, %arg9: memref<32x1024xf32, #tpu.memory_space<vmem>>, %arg10: memref<1024xf32, #tpu.memory_space<vmem>>, %arg11: memref<!tpu.dma_semaphore, #tpu.memory_space<semaphore_mem>>, %arg12: memref<!tpu.dma_semaphore, #tpu.memory_space<semaphore_mem>>) attributes {dimension_semantics = [#tpu.dimension_semantics<core_parallel>, #tpu.dimension_semantics<subcore_parallel>], iteration_bounds = array<i64: 2, 16>, scalar_prefetch = 0 : i64, scratch_operands = 6 : i64, tpu.core_type = #tpu.core_type<sc_vector_subcore>, window_params = [{transform_indices = #map}, {transform_indices = #map1}, {transform_indices = #map}, {transform_indices = #map2}, {transform_indices = #map}]} {
    %mul3A = arith.constant 2 : i32
    %mul3A_0 = arith.muli %arg1, %mul3A : i32
    %add3A = arith.addi %mul3A_0, %arg0 : i32
    %dma_start3A = arith.constant 0 : i32
    %dma_start3A_1 = tpu.memref_slice %arg2[%add3A, %dma_start3A] : memref<32x32768xf32, #tpu.memory_space<hbm>> -> memref<1x32768xf32, #tpu.memory_space<hbm>>
    %dma_start3A_2 = tpu.memref_squeeze %dma_start3A_1 : memref<1x32768xf32, #tpu.memory_space<hbm>> -> memref<32768xf32, #tpu.memory_space<hbm>>
    %dma_start3A_3 = arith.constant 0 : i32
    %dma_start3A_4 = tpu.memref_slice %arg2[%add3A, %dma_start3A_3] : memref<32x32768xf32, #tpu.memory_space<hbm>> -> memref<1x32768xf32, #tpu.memory_space<hbm>>
    %dma_start3A_5 = tpu.memref_squeeze %dma_start3A_4 : memref<1x32768xf32, #tpu.memory_space<hbm>> -> memref<32768xf32, #tpu.memory_space<hbm>>
    tpu.enqueue_dma source(%dma_start3A_5 : memref<32768xf32, #tpu.memory_space<hbm>>) target(%arg7 : memref<32768xf32, #tpu.memory_space<vmem>>) target_semaphore(%arg11 : memref<!tpu.dma_semaphore, #tpu.memory_space<semaphore_mem>>)
    "tpu.region"() ({
      %run_scoped3A = tpu.sem_alloc : memref<!tpu.dma_semaphore, #tpu.memory_space<semaphore_mem>>
      %dma_start3A_125 = arith.constant 0 : i32
      %dma_start3A_126 = arith.constant 0 : i32
      %dma_start3A_127 = tpu.memref_slice %arg3[%dma_start3A_125, %add3A, %dma_start3A_126] : memref<16x32x16xf32, #tpu.memory_space<hbm>> -> memref<16x1x16xf32, #tpu.memory_space<hbm>>
      %dma_start3A_128 = tpu.memref_squeeze %dma_start3A_127 : memref<16x1x16xf32, #tpu.memory_space<hbm>> -> memref<16x16xf32, #tpu.memory_space<hbm>>
      %dma_start3A_129 = arith.constant 0 : i32
      %dma_start3A_130 = arith.constant 0 : i32
      %dma_start3A_131 = tpu.memref_slice %arg3[%dma_start3A_129, %add3A, %dma_start3A_130] : memref<16x32x16xf32, #tpu.memory_space<hbm>> -> memref<16x1x16xf32, #tpu.memory_space<hbm>>
      %dma_start3A_132 = tpu.memref_squeeze %dma_start3A_131 : memref<16x1x16xf32, #tpu.memory_space<hbm>> -> memref<16x16xf32, #tpu.memory_space<hbm>>
      tpu.enqueue_dma source(%dma_start3A_132 : memref<16x16xf32, #tpu.memory_space<hbm>>) target(%arg8 : memref<16x16xf32, #tpu.memory_space<vmem>>) target_semaphore(%run_scoped3A : memref<!tpu.dma_semaphore, #tpu.memory_space<semaphore_mem>>)
      %dma_wait3A_133 = arith.constant 0 : i32
      %dma_wait3A_134 = arith.constant 0 : i32
      %dma_wait3A_135 = tpu.memref_slice %arg3[%dma_wait3A_133, %add3A, %dma_wait3A_134] : memref<16x32x16xf32, #tpu.memory_space<hbm>> -> memref<16x1x16xf32, #tpu.memory_space<hbm>>
      %dma_wait3A_136 = tpu.memref_squeeze %dma_wait3A_135 : memref<16x1x16xf32, #tpu.memory_space<hbm>> -> memref<16x16xf32, #tpu.memory_space<hbm>>
      %dma_wait3A_137 = arith.constant 0 : i32
      %dma_wait3A_138 = arith.constant 0 : i32
      %dma_wait3A_139 = tpu.memref_slice %arg3[%dma_wait3A_137, %add3A, %dma_wait3A_138] : memref<16x32x16xf32, #tpu.memory_space<hbm>> -> memref<16x1x16xf32, #tpu.memory_space<hbm>>
      %dma_wait3A_140 = tpu.memref_squeeze %dma_wait3A_139 : memref<16x1x16xf32, #tpu.memory_space<hbm>> -> memref<16x16xf32, #tpu.memory_space<hbm>>
      tpu.wait_dma2 semaphore(%run_scoped3A : memref<!tpu.dma_semaphore, #tpu.memory_space<semaphore_mem>>) src(%dma_wait3A_140 : memref<16x16xf32, #tpu.memory_space<hbm>>) dst(%arg8 : memref<16x16xf32, #tpu.memory_space<vmem>>)
      tpu.yield
    }) : () -> ()
    "tpu.region"() ({
      %run_scoped3A = tpu.sem_alloc : memref<!tpu.dma_semaphore, #tpu.memory_space<semaphore_mem>>
      tpu.enqueue_dma source(%arg5 : memref<1024xf32, #tpu.memory_space<hbm>>) target(%arg10 : memref<1024xf32, #tpu.memory_space<vmem>>) target_semaphore(%run_scoped3A : memref<!tpu.dma_semaphore, #tpu.memory_space<semaphore_mem>>)
      tpu.wait_dma2 semaphore(%run_scoped3A : memref<!tpu.dma_semaphore, #tpu.memory_space<semaphore_mem>>) src(%arg5 : memref<1024xf32, #tpu.memory_space<hbm>>) dst(%arg10 : memref<1024xf32, #tpu.memory_space<vmem>>)
      tpu.yield
    }) : () -> ()
    %dma_wait3A = arith.constant 0 : i32
    %dma_wait3A_6 = tpu.memref_slice %arg2[%add3A, %dma_wait3A] : memref<32x32768xf32, #tpu.memory_space<hbm>> -> memref<1x32768xf32, #tpu.memory_space<hbm>>
    %dma_wait3A_7 = tpu.memref_squeeze %dma_wait3A_6 : memref<1x32768xf32, #tpu.memory_space<hbm>> -> memref<32768xf32, #tpu.memory_space<hbm>>
    %dma_wait3A_8 = arith.constant 0 : i32
    %dma_wait3A_9 = tpu.memref_slice %arg2[%add3A, %dma_wait3A_8] : memref<32x32768xf32, #tpu.memory_space<hbm>> -> memref<1x32768xf32, #tpu.memory_space<hbm>>
    %dma_wait3A_10 = tpu.memref_squeeze %dma_wait3A_9 : memref<1x32768xf32, #tpu.memory_space<hbm>> -> memref<32768xf32, #tpu.memory_space<hbm>>
    tpu.wait_dma2 semaphore(%arg11 : memref<!tpu.dma_semaphore, #tpu.memory_space<semaphore_mem>>) src(%dma_wait3A_10 : memref<32768xf32, #tpu.memory_space<hbm>>) dst(%arg7 : memref<32768xf32, #tpu.memory_space<vmem>>)
    %iota3A = tpu.iota {dimensions = array<i32: 0>} : vector<16xi32>
    %broadcast_in_dim3A = arith.constant 0 : i32
    %broadcast_in_dim3A_11 = vector.broadcast %broadcast_in_dim3A : i32 to vector<16xi32>
    %broadcast_in_dim3A_12 = arith.constant 0.000000e+00 : f32
    %broadcast_in_dim3A_13 = vector.broadcast %broadcast_in_dim3A_12 : f32 to vector<16xf32>
    %scan3A = arith.constant 0 : i32
    %scan3A_14 = arith.constant 32 : i32
    %scan3A_15 = arith.addi %scan3A, %scan3A_14 : i32
    %scan3A_16 = arith.constant 1 : i32
    %scan3A_17:4 = scf.for %scan3A_125 = %scan3A to %scan3A_15 step %scan3A_16 iter_args(%scan3A_126 = %broadcast_in_dim3A_11, %scan3A_127 = %broadcast_in_dim3A_11, %scan3A_128 = %broadcast_in_dim3A_13, %scan3A_129 = %broadcast_in_dim3A_13) -> (vector<16xi32>, vector<16xi32>, vector<16xf32>, vector<16xf32>)  : i32 {
      %get3A = arith.constant 0 : i32
      %get3A_130 = arith.index_cast %get3A : i32 to index
      %get3A_131 = arith.constant 0 : index
      %get3A_132 = tpu.vector_load %arg8[%get3A_130, %get3A_131] {strides = array<i32>} : memref<16x16xf32, #tpu.memory_space<vmem>>, vector<1x16xf32>,
      %get3A_133 = vector.shape_cast %get3A_132 : vector<1x16xf32> to vector<16xf32>
      %add3A_134 = arith.constant 0 : i32
      %add3A_135 = vector.broadcast %add3A_134 : i32 to vector<16xi32>
      %add3A_136 = arith.addi %iota3A, %add3A_135 : vector<16xi32>
      %get3A_137 = arith.constant 1 : i32
      %get3A_138 = arith.index_cast %get3A_137 : i32 to index
      %get3A_139 = arith.constant 0 : index
      %get3A_140 = tpu.vector_load %arg8[%get3A_138, %get3A_139] {strides = array<i32>} : memref<16x16xf32, #tpu.memory_space<vmem>>, vector<1x16xf32>,
      %get3A_141 = vector.shape_cast %get3A_140 : vector<1x16xf32> to vector<16xf32>
      %add3A_142 = arith.constant 16 : i32
      %add3A_143 = vector.broadcast %add3A_142 : i32 to vector<16xi32>
      %add3A_144 = arith.addi %iota3A, %add3A_143 : vector<16xi32>
      %get3A_145 = arith.constant 2 : i32
      %get3A_146 = arith.index_cast %get3A_145 : i32 to index
      %get3A_147 = arith.constant 0 : index
      %get3A_148 = tpu.vector_load %arg8[%get3A_146, %get3A_147] {strides = array<i32>} : memref<16x16xf32, #tpu.memory_space<vmem>>, vector<1x16xf32>,
      %get3A_149 = vector.shape_cast %get3A_148 : vector<1x16xf32> to vector<16xf32>
      %add3A_150 = arith.constant 32 : i32
      %add3A_151 = vector.broadcast %add3A_150 : i32 to vector<16xi32>
      %add3A_152 = arith.addi %iota3A, %add3A_151 : vector<16xi32>
      %get3A_153 = arith.constant 3 : i32
      %get3A_154 = arith.index_cast %get3A_153 : i32 to index
      %get3A_155 = arith.constant 0 : index
      %get3A_156 = tpu.vector_load %arg8[%get3A_154, %get3A_155] {strides = array<i32>} : memref<16x16xf32, #tpu.memory_space<vmem>>, vector<1x16xf32>,
      %get3A_157 = vector.shape_cast %get3A_156 : vector<1x16xf32> to vector<16xf32>
      %add3A_158 = arith.constant 48 : i32
      %add3A_159 = vector.broadcast %add3A_158 : i32 to vector<16xi32>
      %add3A_160 = arith.addi %iota3A, %add3A_159 : vector<16xi32>
      %get3A_161 = arith.constant 4 : i32
      %get3A_162 = arith.index_cast %get3A_161 : i32 to index
      %get3A_163 = arith.constant 0 : index
      %get3A_164 = tpu.vector_load %arg8[%get3A_162, %get3A_163] {strides = array<i32>} : memref<16x16xf32, #tpu.memory_space<vmem>>, vector<1x16xf32>,
      %get3A_165 = vector.shape_cast %get3A_164 : vector<1x16xf32> to vector<16xf32>
      %add3A_166 = arith.constant 64 : i32
      %add3A_167 = vector.broadcast %add3A_166 : i32 to vector<16xi32>
      %add3A_168 = arith.addi %iota3A, %add3A_167 : vector<16xi32>
      %get3A_169 = arith.constant 5 : i32
      %get3A_170 = arith.index_cast %get3A_169 : i32 to index
      %get3A_171 = arith.constant 0 : index
      %get3A_172 = tpu.vector_load %arg8[%get3A_170, %get3A_171] {strides = array<i32>} : memref<16x16xf32, #tpu.memory_space<vmem>>, vector<1x16xf32>,
      %get3A_173 = vector.shape_cast %get3A_172 : vector<1x16xf32> to vector<16xf32>
      %add3A_174 = arith.constant 80 : i32
      %add3A_175 = vector.broadcast %add3A_174 : i32 to vector<16xi32>
      %add3A_176 = arith.addi %iota3A, %add3A_175 : vector<16xi32>
      %get3A_177 = arith.constant 6 : i32
      %get3A_178 = arith.index_cast %get3A_177 : i32 to index
      %get3A_179 = arith.constant 0 : index
      %get3A_180 = tpu.vector_load %arg8[%get3A_178, %get3A_179] {strides = array<i32>} : memref<16x16xf32, #tpu.memory_space<vmem>>, vector<1x16xf32>,
      %get3A_181 = vector.shape_cast %get3A_180 : vector<1x16xf32> to vector<16xf32>
      %add3A_182 = arith.constant 96 : i32
      %add3A_183 = vector.broadcast %add3A_182 : i32 to vector<16xi32>
      %add3A_184 = arith.addi %iota3A, %add3A_183 : vector<16xi32>
      %get3A_185 = arith.constant 7 : i32
      %get3A_186 = arith.index_cast %get3A_185 : i32 to index
      %get3A_187 = arith.constant 0 : index
      %get3A_188 = tpu.vector_load %arg8[%get3A_186, %get3A_187] {strides = array<i32>} : memref<16x16xf32, #tpu.memory_space<vmem>>, vector<1x16xf32>,
      %get3A_189 = vector.shape_cast %get3A_188 : vector<1x16xf32> to vector<16xf32>
      %add3A_190 = arith.constant 112 : i32
      %add3A_191 = vector.broadcast %add3A_190 : i32 to vector<16xi32>
      %add3A_192 = arith.addi %iota3A, %add3A_191 : vector<16xi32>
      %get3A_193 = arith.constant 8 : i32
      %get3A_194 = arith.index_cast %get3A_193 : i32 to index
      %get3A_195 = arith.constant 0 : index
      %get3A_196 = tpu.vector_load %arg8[%get3A_194, %get3A_195] {strides = array<i32>} : memref<16x16xf32, #tpu.memory_space<vmem>>, vector<1x16xf32>,
      %get3A_197 = vector.shape_cast %get3A_196 : vector<1x16xf32> to vector<16xf32>
      %add3A_198 = arith.constant 128 : i32
      %add3A_199 = vector.broadcast %add3A_198 : i32 to vector<16xi32>
      %add3A_200 = arith.addi %iota3A, %add3A_199 : vector<16xi32>
      %get3A_201 = arith.constant 9 : i32
      %get3A_202 = arith.index_cast %get3A_201 : i32 to index
      %get3A_203 = arith.constant 0 : index
      %get3A_204 = tpu.vector_load %arg8[%get3A_202, %get3A_203] {strides = array<i32>} : memref<16x16xf32, #tpu.memory_space<vmem>>, vector<1x16xf32>,
      %get3A_205 = vector.shape_cast %get3A_204 : vector<1x16xf32> to vector<16xf32>
      %add3A_206 = arith.constant 144 : i32
      %add3A_207 = vector.broadcast %add3A_206 : i32 to vector<16xi32>
      %add3A_208 = arith.addi %iota3A, %add3A_207 : vector<16xi32>
      %get3A_209 = arith.constant 10 : i32
      %get3A_210 = arith.index_cast %get3A_209 : i32 to index
      %get3A_211 = arith.constant 0 : index
      %get3A_212 = tpu.vector_load %arg8[%get3A_210, %get3A_211] {strides = array<i32>} : memref<16x16xf32, #tpu.memory_space<vmem>>, vector<1x16xf32>,
      %get3A_213 = vector.shape_cast %get3A_212 : vector<1x16xf32> to vector<16xf32>
      %add3A_214 = arith.constant 160 : i32
      %add3A_215 = vector.broadcast %add3A_214 : i32 to vector<16xi32>
      %add3A_216 = arith.addi %iota3A, %add3A_215 : vector<16xi32>
      %get3A_217 = arith.constant 11 : i32
      %get3A_218 = arith.index_cast %get3A_217 : i32 to index
      %get3A_219 = arith.constant 0 : index
      %get3A_220 = tpu.vector_load %arg8[%get3A_218, %get3A_219] {strides = array<i32>} : memref<16x16xf32, #tpu.memory_space<vmem>>, vector<1x16xf32>,
      %get3A_221 = vector.shape_cast %get3A_220 : vector<1x16xf32> to vector<16xf32>
      %add3A_222 = arith.constant 176 : i32
      %add3A_223 = vector.broadcast %add3A_222 : i32 to vector<16xi32>
      %add3A_224 = arith.addi %iota3A, %add3A_223 : vector<16xi32>
      %get3A_225 = arith.constant 12 : i32
      %get3A_226 = arith.index_cast %get3A_225 : i32 to index
      %get3A_227 = arith.constant 0 : index
      %get3A_228 = tpu.vector_load %arg8[%get3A_226, %get3A_227] {strides = array<i32>} : memref<16x16xf32, #tpu.memory_space<vmem>>, vector<1x16xf32>,
      %get3A_229 = vector.shape_cast %get3A_228 : vector<1x16xf32> to vector<16xf32>
      %add3A_230 = arith.constant 192 : i32
      %add3A_231 = vector.broadcast %add3A_230 : i32 to vector<16xi32>
      %add3A_232 = arith.addi %iota3A, %add3A_231 : vector<16xi32>
      %get3A_233 = arith.constant 13 : i32
      %get3A_234 = arith.index_cast %get3A_233 : i32 to index
      %get3A_235 = arith.constant 0 : index
      %get3A_236 = tpu.vector_load %arg8[%get3A_234, %get3A_235] {strides = array<i32>} : memref<16x16xf32, #tpu.memory_space<vmem>>, vector<1x16xf32>,
      %get3A_237 = vector.shape_cast %get3A_236 : vector<1x16xf32> to vector<16xf32>
      %add3A_238 = arith.constant 208 : i32
      %add3A_239 = vector.broadcast %add3A_238 : i32 to vector<16xi32>
      %add3A_240 = arith.addi %iota3A, %add3A_239 : vector<16xi32>
      %get3A_241 = arith.constant 14 : i32
      %get3A_242 = arith.index_cast %get3A_241 : i32 to index
      %get3A_243 = arith.constant 0 : index
      %get3A_244 = tpu.vector_load %arg8[%get3A_242, %get3A_243] {strides = array<i32>} : memref<16x16xf32, #tpu.memory_space<vmem>>, vector<1x16xf32>,
      %get3A_245 = vector.shape_cast %get3A_244 : vector<1x16xf32> to vector<16xf32>
      %add3A_246 = arith.constant 224 : i32
      %add3A_247 = vector.broadcast %add3A_246 : i32 to vector<16xi32>
      %add3A_248 = arith.addi %iota3A, %add3A_247 : vector<16xi32>
      %get3A_249 = arith.constant 15 : i32
      %get3A_250 = arith.index_cast %get3A_249 : i32 to index
      %get3A_251 = arith.constant 0 : index
      %get3A_252 = tpu.vector_load %arg8[%get3A_250, %get3A_251] {strides = array<i32>} : memref<16x16xf32, #tpu.memory_space<vmem>>, vector<1x16xf32>,
      %get3A_253 = vector.shape_cast %get3A_252 : vector<1x16xf32> to vector<16xf32>
      %add3A_254 = arith.constant 240 : i32
      %add3A_255 = vector.broadcast %add3A_254 : i32 to vector<16xi32>
      %add3A_256 = arith.addi %iota3A, %add3A_255 : vector<16xi32>
      %gt3A = arith.cmpf ogt, %get3A_141, %get3A_133 : vector<16xf32>
      %eq3A = arith.cmpf oeq, %get3A_141, %get3A_133 : vector<16xf32>
      %lt3A = arith.cmpi slt, %add3A_144, %add3A_136 : vector<16xi32>
      %and3A = arith.andi %eq3A, %lt3A : vector<16xi1>
      %or3A = arith.ori %gt3A, %and3A : vector<16xi1>
      %select_n3A = arith.select %or3A, %get3A_141, %get3A_133 : vector<16xi1>, vector<16xf32>
      %select_n3A_257 = arith.select %or3A, %add3A_144, %add3A_136 : vector<16xi1>, vector<16xi32>
      %gt3A_258 = arith.cmpf ogt, %get3A_157, %get3A_149 : vector<16xf32>
      %eq3A_259 = arith.cmpf oeq, %get3A_157, %get3A_149 : vector<16xf32>
      %lt3A_260 = arith.cmpi slt, %add3A_160, %add3A_152 : vector<16xi32>
      %and3A_261 = arith.andi %eq3A_259, %lt3A_260 : vector<16xi1>
      %or3A_262 = arith.ori %gt3A_258, %and3A_261 : vector<16xi1>
      %select_n3A_263 = arith.select %or3A_262, %get3A_157, %get3A_149 : vector<16xi1>, vector<16xf32>
      %select_n3A_264 = arith.select %or3A_262, %add3A_160, %add3A_152 : vector<16xi1>, vector<16xi32>
      %gt3A_265 = arith.cmpf ogt, %get3A_173, %get3A_165 : vector<16xf32>
      %eq3A_266 = arith.cmpf oeq, %get3A_173, %get3A_165 : vector<16xf32>
      %lt3A_267 = arith.cmpi slt, %add3A_176, %add3A_168 : vector<16xi32>
      %and3A_268 = arith.andi %eq3A_266, %lt3A_267 : vector<16xi1>
      %or3A_269 = arith.ori %gt3A_265, %and3A_268 : vector<16xi1>
      %select_n3A_270 = arith.select %or3A_269, %get3A_173, %get3A_165 : vector<16xi1>, vector<16xf32>
      %select_n3A_271 = arith.select %or3A_269, %add3A_176, %add3A_168 : vector<16xi1>, vector<16xi32>
      %gt3A_272 = arith.cmpf ogt, %get3A_189, %get3A_181 : vector<16xf32>
      %eq3A_273 = arith.cmpf oeq, %get3A_189, %get3A_181 : vector<16xf32>
      %lt3A_274 = arith.cmpi slt, %add3A_192, %add3A_184 : vector<16xi32>
      %and3A_275 = arith.andi %eq3A_273, %lt3A_274 : vector<16xi1>
      %or3A_276 = arith.ori %gt3A_272, %and3A_275 : vector<16xi1>
      %select_n3A_277 = arith.select %or3A_276, %get3A_189, %get3A_181 : vector<16xi1>, vector<16xf32>
      %select_n3A_278 = arith.select %or3A_276, %add3A_192, %add3A_184 : vector<16xi1>, vector<16xi32>
      %gt3A_279 = arith.cmpf ogt, %get3A_205, %get3A_197 : vector<16xf32>
      %eq3A_280 = arith.cmpf oeq, %get3A_205, %get3A_197 : vector<16xf32>
      %lt3A_281 = arith.cmpi slt, %add3A_208, %add3A_200 : vector<16xi32>
      %and3A_282 = arith.andi %eq3A_280, %lt3A_281 : vector<16xi1>
      %or3A_283 = arith.ori %gt3A_279, %and3A_282 : vector<16xi1>
      %select_n3A_284 = arith.select %or3A_283, %get3A_205, %get3A_197 : vector<16xi1>, vector<16xf32>
      %select_n3A_285 = arith.select %or3A_283, %add3A_208, %add3A_200 : vector<16xi1>, vector<16xi32>
      %gt3A_286 = arith.cmpf ogt, %get3A_221, %get3A_213 : vector<16xf32>
      %eq3A_287 = arith.cmpf oeq, %get3A_221, %get3A_213 : vector<16xf32>
      %lt3A_288 = arith.cmpi slt, %add3A_224, %add3A_216 : vector<16xi32>
      %and3A_289 = arith.andi %eq3A_287, %lt3A_288 : vector<16xi1>
      %or3A_290 = arith.ori %gt3A_286, %and3A_289 : vector<16xi1>
      %select_n3A_291 = arith.select %or3A_290, %get3A_221, %get3A_213 : vector<16xi1>, vector<16xf32>
      %select_n3A_292 = arith.select %or3A_290, %add3A_224, %add3A_216 : vector<16xi1>, vector<16xi32>
      %gt3A_293 = arith.cmpf ogt, %get3A_237, %get3A_229 : vector<16xf32>
      %eq3A_294 = arith.cmpf oeq, %get3A_237, %get3A_229 : vector<16xf32>
      %lt3A_295 = arith.cmpi slt, %add3A_240, %add3A_232 : vector<16xi32>
      %and3A_296 = arith.andi %eq3A_294, %lt3A_295 : vector<16xi1>
      %or3A_297 = arith.ori %gt3A_293, %and3A_296 : vector<16xi1>
      %select_n3A_298 = arith.select %or3A_297, %get3A_237, %get3A_229 : vector<16xi1>, vector<16xf32>
      %select_n3A_299 = arith.select %or3A_297, %add3A_240, %add3A_232 : vector<16xi1>, vector<16xi32>
      %gt3A_300 = arith.cmpf ogt, %get3A_253, %get3A_245 : vector<16xf32>
      %eq3A_301 = arith.cmpf oeq, %get3A_253, %get3A_245 : vector<16xf32>
      %lt3A_302 = arith.cmpi slt, %add3A_256, %add3A_248 : vector<16xi32>
      %and3A_303 = arith.andi %eq3A_301, %lt3A_302 : vector<16xi1>
      %or3A_304 = arith.ori %gt3A_300, %and3A_303 : vector<16xi1>
      %select_n3A_305 = arith.select %or3A_304, %get3A_253, %get3A_245 : vector<16xi1>, vector<16xf32>
      %select_n3A_306 = arith.select %or3A_304, %add3A_256, %add3A_248 : vector<16xi1>, vector<16xi32>
      %gt3A_307 = arith.cmpf ogt, %select_n3A_263, %select_n3A : vector<16xf32>
      %eq3A_308 = arith.cmpf oeq, %select_n3A_263, %select_n3A : vector<16xf32>
      %lt3A_309 = arith.cmpi slt, %select_n3A_264, %select_n3A_257 : vector<16xi32>
      %and3A_310 = arith.andi %eq3A_308, %lt3A_309 : vector<16xi1>
      %or3A_311 = arith.ori %gt3A_307, %and3A_310 : vector<16xi1>
      %select_n3A_312 = arith.select %or3A_311, %select_n3A_263, %select_n3A : vector<16xi1>, vector<16xf32>
      %select_n3A_313 = arith.select %or3A_311, %select_n3A_264, %select_n3A_257 : vector<16xi1>, vector<16xi32>
      %gt3A_314 = arith.cmpf ogt, %select_n3A_277, %select_n3A_270 : vector<16xf32>
      %eq3A_315 = arith.cmpf oeq, %select_n3A_277, %select_n3A_270 : vector<16xf32>
      %lt3A_316 = arith.cmpi slt, %select_n3A_278, %select_n3A_271 : vector<16xi32>
      %and3A_317 = arith.andi %eq3A_315, %lt3A_316 : vector<16xi1>
      %or3A_318 = arith.ori %gt3A_314, %and3A_317 : vector<16xi1>
      %select_n3A_319 = arith.select %or3A_318, %select_n3A_277, %select_n3A_270 : vector<16xi1>, vector<16xf32>
      %select_n3A_320 = arith.select %or3A_318, %select_n3A_278, %select_n3A_271 : vector<16xi1>, vector<16xi32>
      %gt3A_321 = arith.cmpf ogt, %select_n3A_291, %select_n3A_284 : vector<16xf32>
      %eq3A_322 = arith.cmpf oeq, %select_n3A_291, %select_n3A_284 : vector<16xf32>
      %lt3A_323 = arith.cmpi slt, %select_n3A_292, %select_n3A_285 : vector<16xi32>
      %and3A_324 = arith.andi %eq3A_322, %lt3A_323 : vector<16xi1>
      %or3A_325 = arith.ori %gt3A_321, %and3A_324 : vector<16xi1>
      %select_n3A_326 = arith.select %or3A_325, %select_n3A_291, %select_n3A_284 : vector<16xi1>, vector<16xf32>
      %select_n3A_327 = arith.select %or3A_325, %select_n3A_292, %select_n3A_285 : vector<16xi1>, vector<16xi32>
      %gt3A_328 = arith.cmpf ogt, %select_n3A_305, %select_n3A_298 : vector<16xf32>
      %eq3A_329 = arith.cmpf oeq, %select_n3A_305, %select_n3A_298 : vector<16xf32>
      %lt3A_330 = arith.cmpi slt, %select_n3A_306, %select_n3A_299 : vector<16xi32>
      %and3A_331 = arith.andi %eq3A_329, %lt3A_330 : vector<16xi1>
      %or3A_332 = arith.ori %gt3A_328, %and3A_331 : vector<16xi1>
      %select_n3A_333 = arith.select %or3A_332, %select_n3A_305, %select_n3A_298 : vector<16xi1>, vector<16xf32>
      %select_n3A_334 = arith.select %or3A_332, %select_n3A_306, %select_n3A_299 : vector<16xi1>, vector<16xi32>
      %gt3A_335 = arith.cmpf ogt, %select_n3A_319, %select_n3A_312 : vector<16xf32>
      %eq3A_336 = arith.cmpf oeq, %select_n3A_319, %select_n3A_312 : vector<16xf32>
      %lt3A_337 = arith.cmpi slt, %select_n3A_320, %select_n3A_313 : vector<16xi32>
      %and3A_338 = arith.andi %eq3A_336, %lt3A_337 : vector<16xi1>
      %or3A_339 = arith.ori %gt3A_335, %and3A_338 : vector<16xi1>
      %select_n3A_340 = arith.select %or3A_339, %select_n3A_319, %select_n3A_312 : vector<16xi1>, vector<16xf32>
      %select_n3A_341 = arith.select %or3A_339, %select_n3A_320, %select_n3A_313 : vector<16xi1>, vector<16xi32>
      %gt3A_342 = arith.cmpf ogt, %select_n3A_333, %select_n3A_326 : vector<16xf32>
      %eq3A_343 = arith.cmpf oeq, %select_n3A_333, %select_n3A_326 : vector<16xf32>
      %lt3A_344 = arith.cmpi slt, %select_n3A_334, %select_n3A_327 : vector<16xi32>
      %and3A_345 = arith.andi %eq3A_343, %lt3A_344 : vector<16xi1>
      %or3A_346 = arith.ori %gt3A_342, %and3A_345 : vector<16xi1>
      %select_n3A_347 = arith.select %or3A_346, %select_n3A_333, %select_n3A_326 : vector<16xi1>, vector<16xf32>
      %select_n3A_348 = arith.select %or3A_346, %select_n3A_334, %select_n3A_327 : vector<16xi1>, vector<16xi32>
      %gt3A_349 = arith.cmpf ogt, %select_n3A_347, %select_n3A_340 : vector<16xf32>
      %eq3A_350 = arith.cmpf oeq, %select_n3A_347, %select_n3A_340 : vector<16xf32>
      %lt3A_351 = arith.cmpi slt, %select_n3A_348, %select_n3A_341 : vector<16xi32>
      %and3A_352 = arith.andi %eq3A_350, %lt3A_351 : vector<16xi1>
      %or3A_353 = arith.ori %gt3A_349, %and3A_352 : vector<16xi1>
      %select_n3A_354 = arith.select %or3A_353, %select_n3A_347, %select_n3A_340 : vector<16xi1>, vector<16xf32>
      %select_n3A_355 = arith.select %or3A_353, %select_n3A_348, %select_n3A_341 : vector<16xi1>, vector<16xi32>
      %slice3A_356 = vector.extract_strided_slice %select_n3A_354 {offsets = [0], sizes = [1], strides = [1]} : vector<16xf32> to vector<1xf32>
      %squeeze3A_357 = vector.extract %slice3A_356[0] : f32 from vector<1xf32>
      %slice3A_358 = vector.extract_strided_slice %select_n3A_355 {offsets = [0], sizes = [1], strides = [1]} : vector<16xi32> to vector<1xi32>
      %squeeze3A_359 = vector.extract %slice3A_358[0] : i32 from vector<1xi32>
      %slice3A_360 = vector.extract_strided_slice %select_n3A_354 {offsets = [1], sizes = [1], strides = [1]} : vector<16xf32> to vector<1xf32>
      %squeeze3A_361 = vector.extract %slice3A_360[0] : f32 from vector<1xf32>
      %slice3A_362 = vector.extract_strided_slice %select_n3A_355 {offsets = [1], sizes = [1], strides = [1]} : vector<16xi32> to vector<1xi32>
      %squeeze3A_363 = vector.extract %slice3A_362[0] : i32 from vector<1xi32>
      %slice3A_364 = vector.extract_strided_slice %select_n3A_354 {offsets = [2], sizes = [1], strides = [1]} : vector<16xf32> to vector<1xf32>
      %squeeze3A_365 = vector.extract %slice3A_364[0] : f32 from vector<1xf32>
      %slice3A_366 = vector.extract_strided_slice %select_n3A_355 {offsets = [2], sizes = [1], strides = [1]} : vector<16xi32> to vector<1xi32>
      %squeeze3A_367 = vector.extract %slice3A_366[0] : i32 from vector<1xi32>
      %slice3A_368 = vector.extract_strided_slice %select_n3A_354 {offsets = [3], sizes = [1], strides = [1]} : vector<16xf32> to vector<1xf32>
      %squeeze3A_369 = vector.extract %slice3A_368[0] : f32 from vector<1xf32>
      %slice3A_370 = vector.extract_strided_slice %select_n3A_355 {offsets = [3], sizes = [1], strides = [1]} : vector<16xi32> to vector<1xi32>
      %squeeze3A_371 = vector.extract %slice3A_370[0] : i32 from vector<1xi32>
      %slice3A_372 = vector.extract_strided_slice %select_n3A_354 {offsets = [4], sizes = [1], strides = [1]} : vector<16xf32> to vector<1xf32>
      %squeeze3A_373 = vector.extract %slice3A_372[0] : f32 from vector<1xf32>
      %slice3A_374 = vector.extract_strided_slice %select_n3A_355 {offsets = [4], sizes = [1], strides = [1]} : vector<16xi32> to vector<1xi32>
      %squeeze3A_375 = vector.extract %slice3A_374[0] : i32 from vector<1xi32>
      %slice3A_376 = vector.extract_strided_slice %select_n3A_354 {offsets = [5], sizes = [1], strides = [1]} : vector<16xf32> to vector<1xf32>
      %squeeze3A_377 = vector.extract %slice3A_376[0] : f32 from vector<1xf32>
      %slice3A_378 = vector.extract_strided_slice %select_n3A_355 {offsets = [5], sizes = [1], strides = [1]} : vector<16xi32> to vector<1xi32>
      %squeeze3A_379 = vector.extract %slice3A_378[0] : i32 from vector<1xi32>
      %slice3A_380 = vector.extract_strided_slice %select_n3A_354 {offsets = [6], sizes = [1], strides = [1]} : vector<16xf32> to vector<1xf32>
      %squeeze3A_381 = vector.extract %slice3A_380[0] : f32 from vector<1xf32>
      %slice3A_382 = vector.extract_strided_slice %select_n3A_355 {offsets = [6], sizes = [1], strides = [1]} : vector<16xi32> to vector<1xi32>
      %squeeze3A_383 = vector.extract %slice3A_382[0] : i32 from vector<1xi32>
      %slice3A_384 = vector.extract_strided_slice %select_n3A_354 {offsets = [7], sizes = [1], strides = [1]} : vector<16xf32> to vector<1xf32>
      %squeeze3A_385 = vector.extract %slice3A_384[0] : f32 from vector<1xf32>
      %slice3A_386 = vector.extract_strided_slice %select_n3A_355 {offsets = [7], sizes = [1], strides = [1]} : vector<16xi32> to vector<1xi32>
      %squeeze3A_387 = vector.extract %slice3A_386[0] : i32 from vector<1xi32>
      %slice3A_388 = vector.extract_strided_slice %select_n3A_354 {offsets = [8], sizes = [1], strides = [1]} : vector<16xf32> to vector<1xf32>
      %squeeze3A_389 = vector.extract %slice3A_388[0] : f32 from vector<1xf32>
      %slice3A_390 = vector.extract_strided_slice %select_n3A_355 {offsets = [8], sizes = [1], strides = [1]} : vector<16xi32> to vector<1xi32>
      %squeeze3A_391 = vector.extract %slice3A_390[0] : i32 from vector<1xi32>
      %slice3A_392 = vector.extract_strided_slice %select_n3A_354 {offsets = [9], sizes = [1], strides = [1]} : vector<16xf32> to vector<1xf32>
      %squeeze3A_393 = vector.extract %slice3A_392[0] : f32 from vector<1xf32>
      %slice3A_394 = vector.extract_strided_slice %select_n3A_355 {offsets = [9], sizes = [1], strides = [1]} : vector<16xi32> to vector<1xi32>
      %squeeze3A_395 = vector.extract %slice3A_394[0] : i32 from vector<1xi32>
      %slice3A_396 = vector.extract_strided_slice %select_n3A_354 {offsets = [10], sizes = [1], strides = [1]} : vector<16xf32> to vector<1xf32>
      %squeeze3A_397 = vector.extract %slice3A_396[0] : f32 from vector<1xf32>
      %slice3A_398 = vector.extract_strided_slice %select_n3A_355 {offsets = [10], sizes = [1], strides = [1]} : vector<16xi32> to vector<1xi32>
      %squeeze3A_399 = vector.extract %slice3A_398[0] : i32 from vector<1xi32>
      %slice3A_400 = vector.extract_strided_slice %select_n3A_354 {offsets = [11], sizes = [1], strides = [1]} : vector<16xf32> to vector<1xf32>
      %squeeze3A_401 = vector.extract %slice3A_400[0] : f32 from vector<1xf32>
      %slice3A_402 = vector.extract_strided_slice %select_n3A_355 {offsets = [11], sizes = [1], strides = [1]} : vector<16xi32> to vector<1xi32>
      %squeeze3A_403 = vector.extract %slice3A_402[0] : i32 from vector<1xi32>
      %slice3A_404 = vector.extract_strided_slice %select_n3A_354 {offsets = [12], sizes = [1], strides = [1]} : vector<16xf32> to vector<1xf32>
      %squeeze3A_405 = vector.extract %slice3A_404[0] : f32 from vector<1xf32>
      %slice3A_406 = vector.extract_strided_slice %select_n3A_355 {offsets = [12], sizes = [1], strides = [1]} : vector<16xi32> to vector<1xi32>
      %squeeze3A_407 = vector.extract %slice3A_406[0] : i32 from vector<1xi32>
      %slice3A_408 = vector.extract_strided_slice %select_n3A_354 {offsets = [13], sizes = [1], strides = [1]} : vector<16xf32> to vector<1xf32>
      %squeeze3A_409 = vector.extract %slice3A_408[0] : f32 from vector<1xf32>
      %slice3A_410 = vector.extract_strided_slice %select_n3A_355 {offsets = [13], sizes = [1], strides = [1]} : vector<16xi32> to vector<1xi32>
      %squeeze3A_411 = vector.extract %slice3A_410[0] : i32 from vector<1xi32>
      %slice3A_412 = vector.extract_strided_slice %select_n3A_354 {offsets = [14], sizes = [1], strides = [1]} : vector<16xf32> to vector<1xf32>
      %squeeze3A_413 = vector.extract %slice3A_412[0] : f32 from vector<1xf32>
      %slice3A_414 = vector.extract_strided_slice %select_n3A_355 {offsets = [14], sizes = [1], strides = [1]} : vector<16xi32> to vector<1xi32>
      %squeeze3A_415 = vector.extract %slice3A_414[0] : i32 from vector<1xi32>
      %slice3A_416 = vector.extract_strided_slice %select_n3A_354 {offsets = [15], sizes = [1], strides = [1]} : vector<16xf32> to vector<1xf32>
      %squeeze3A_417 = vector.extract %slice3A_416[0] : f32 from vector<1xf32>
      %slice3A_418 = vector.extract_strided_slice %select_n3A_355 {offsets = [15], sizes = [1], strides = [1]} : vector<16xi32> to vector<1xi32>
      %squeeze3A_419 = vector.extract %slice3A_418[0] : i32 from vector<1xi32>
      %gt3A_420 = arith.cmpf ogt, %squeeze3A_361, %squeeze3A_357 : f32
      %eq3A_421 = arith.cmpf oeq, %squeeze3A_361, %squeeze3A_357 : f32
      %lt3A_422 = arith.cmpi slt, %squeeze3A_363, %squeeze3A_359 : i32
      %and3A_423 = arith.andi %eq3A_421, %lt3A_422 : i1
      %or3A_424 = arith.ori %gt3A_420, %and3A_423 : i1
      %select_n3A_425 = arith.select %or3A_424, %squeeze3A_361, %squeeze3A_357 : f32
      %select_n3A_426 = arith.select %or3A_424, %squeeze3A_363, %squeeze3A_359 : i32
      %gt3A_427 = arith.cmpf ogt, %squeeze3A_369, %squeeze3A_365 : f32
      %eq3A_428 = arith.cmpf oeq, %squeeze3A_369, %squeeze3A_365 : f32
      %lt3A_429 = arith.cmpi slt, %squeeze3A_371, %squeeze3A_367 : i32
      %and3A_430 = arith.andi %eq3A_428, %lt3A_429 : i1
      %or3A_431 = arith.ori %gt3A_427, %and3A_430 : i1
      %select_n3A_432 = arith.select %or3A_431, %squeeze3A_369, %squeeze3A_365 : f32
      %select_n3A_433 = arith.select %or3A_431, %squeeze3A_371, %squeeze3A_367 : i32
      %gt3A_434 = arith.cmpf ogt, %squeeze3A_377, %squeeze3A_373 : f32
      %eq3A_435 = arith.cmpf oeq, %squeeze3A_377, %squeeze3A_373 : f32
      %lt3A_436 = arith.cmpi slt, %squeeze3A_379, %squeeze3A_375 : i32
      %and3A_437 = arith.andi %eq3A_435, %lt3A_436 : i1
      %or3A_438 = arith.ori %gt3A_434, %and3A_437 : i1
      %select_n3A_439 = arith.select %or3A_438, %squeeze3A_377, %squeeze3A_373 : f32
      %select_n3A_440 = arith.select %or3A_438, %squeeze3A_379, %squeeze3A_375 : i32
      %gt3A_441 = arith.cmpf ogt, %squeeze3A_385, %squeeze3A_381 : f32
      %eq3A_442 = arith.cmpf oeq, %squeeze3A_385, %squeeze3A_381 : f32
      %lt3A_443 = arith.cmpi slt, %squeeze3A_387, %squeeze3A_383 : i32
      %and3A_444 = arith.andi %eq3A_442, %lt3A_443 : i1
      %or3A_445 = arith.ori %gt3A_441, %and3A_444 : i1
      %select_n3A_446 = arith.select %or3A_445, %squeeze3A_385, %squeeze3A_381 : f32
      %select_n3A_447 = arith.select %or3A_445, %squeeze3A_387, %squeeze3A_383 : i32
      %gt3A_448 = arith.cmpf ogt, %squeeze3A_393, %squeeze3A_389 : f32
      %eq3A_449 = arith.cmpf oeq, %squeeze3A_393, %squeeze3A_389 : f32
      %lt3A_450 = arith.cmpi slt, %squeeze3A_395, %squeeze3A_391 : i32
      %and3A_451 = arith.andi %eq3A_449, %lt3A_450 : i1
      %or3A_452 = arith.ori %gt3A_448, %and3A_451 : i1
      %select_n3A_453 = arith.select %or3A_452, %squeeze3A_393, %squeeze3A_389 : f32
      %select_n3A_454 = arith.select %or3A_452, %squeeze3A_395, %squeeze3A_391 : i32
      %gt3A_455 = arith.cmpf ogt, %squeeze3A_401, %squeeze3A_397 : f32
      %eq3A_456 = arith.cmpf oeq, %squeeze3A_401, %squeeze3A_397 : f32
      %lt3A_457 = arith.cmpi slt, %squeeze3A_403, %squeeze3A_399 : i32
      %and3A_458 = arith.andi %eq3A_456, %lt3A_457 : i1
      %or3A_459 = arith.ori %gt3A_455, %and3A_458 : i1
      %select_n3A_460 = arith.select %or3A_459, %squeeze3A_401, %squeeze3A_397 : f32
      %select_n3A_461 = arith.select %or3A_459, %squeeze3A_403, %squeeze3A_399 : i32
      %gt3A_462 = arith.cmpf ogt, %squeeze3A_409, %squeeze3A_405 : f32
      %eq3A_463 = arith.cmpf oeq, %squeeze3A_409, %squeeze3A_405 : f32
      %lt3A_464 = arith.cmpi slt, %squeeze3A_411, %squeeze3A_407 : i32
      %and3A_465 = arith.andi %eq3A_463, %lt3A_464 : i1
      %or3A_466 = arith.ori %gt3A_462, %and3A_465 : i1
      %select_n3A_467 = arith.select %or3A_466, %squeeze3A_409, %squeeze3A_405 : f32
      %select_n3A_468 = arith.select %or3A_466, %squeeze3A_411, %squeeze3A_407 : i32
      %gt3A_469 = arith.cmpf ogt, %squeeze3A_417, %squeeze3A_413 : f32
      %eq3A_470 = arith.cmpf oeq, %squeeze3A_417, %squeeze3A_413 : f32
      %lt3A_471 = arith.cmpi slt, %squeeze3A_419, %squeeze3A_415 : i32
      %and3A_472 = arith.andi %eq3A_470, %lt3A_471 : i1
      %or3A_473 = arith.ori %gt3A_469, %and3A_472 : i1
      %select_n3A_474 = arith.select %or3A_473, %squeeze3A_417, %squeeze3A_413 : f32
      %select_n3A_475 = arith.select %or3A_473, %squeeze3A_419, %squeeze3A_415 : i32
      %gt3A_476 = arith.cmpf ogt, %select_n3A_432, %select_n3A_425 : f32
      %eq3A_477 = arith.cmpf oeq, %select_n3A_432, %select_n3A_425 : f32
      %lt3A_478 = arith.cmpi slt, %select_n3A_433, %select_n3A_426 : i32
      %and3A_479 = arith.andi %eq3A_477, %lt3A_478 : i1
      %or3A_480 = arith.ori %gt3A_476, %and3A_479 : i1
      %select_n3A_481 = arith.select %or3A_480, %select_n3A_432, %select_n3A_425 : f32
      %select_n3A_482 = arith.select %or3A_480, %select_n3A_433, %select_n3A_426 : i32
      %gt3A_483 = arith.cmpf ogt, %select_n3A_446, %select_n3A_439 : f32
      %eq3A_484 = arith.cmpf oeq, %select_n3A_446, %select_n3A_439 : f32
      %lt3A_485 = arith.cmpi slt, %select_n3A_447, %select_n3A_440 : i32
      %and3A_486 = arith.andi %eq3A_484, %lt3A_485 : i1
      %or3A_487 = arith.ori %gt3A_483, %and3A_486 : i1
      %select_n3A_488 = arith.select %or3A_487, %select_n3A_446, %select_n3A_439 : f32
      %select_n3A_489 = arith.select %or3A_487, %select_n3A_447, %select_n3A_440 : i32
      %gt3A_490 = arith.cmpf ogt, %select_n3A_460, %select_n3A_453 : f32
      %eq3A_491 = arith.cmpf oeq, %select_n3A_460, %select_n3A_453 : f32
      %lt3A_492 = arith.cmpi slt, %select_n3A_461, %select_n3A_454 : i32
      %and3A_493 = arith.andi %eq3A_491, %lt3A_492 : i1
      %or3A_494 = arith.ori %gt3A_490, %and3A_493 : i1
      %select_n3A_495 = arith.select %or3A_494, %select_n3A_460, %select_n3A_453 : f32
      %select_n3A_496 = arith.select %or3A_494, %select_n3A_461, %select_n3A_454 : i32
      %gt3A_497 = arith.cmpf ogt, %select_n3A_474, %select_n3A_467 : f32
      %eq3A_498 = arith.cmpf oeq, %select_n3A_474, %select_n3A_467 : f32
      %lt3A_499 = arith.cmpi slt, %select_n3A_475, %select_n3A_468 : i32
      %and3A_500 = arith.andi %eq3A_498, %lt3A_499 : i1
      %or3A_501 = arith.ori %gt3A_497, %and3A_500 : i1
      %select_n3A_502 = arith.select %or3A_501, %select_n3A_474, %select_n3A_467 : f32
      %select_n3A_503 = arith.select %or3A_501, %select_n3A_475, %select_n3A_468 : i32
      %gt3A_504 = arith.cmpf ogt, %select_n3A_488, %select_n3A_481 : f32
      %eq3A_505 = arith.cmpf oeq, %select_n3A_488, %select_n3A_481 : f32
      %lt3A_506 = arith.cmpi slt, %select_n3A_489, %select_n3A_482 : i32
      %and3A_507 = arith.andi %eq3A_505, %lt3A_506 : i1
      %or3A_508 = arith.ori %gt3A_504, %and3A_507 : i1
      %select_n3A_509 = arith.select %or3A_508, %select_n3A_488, %select_n3A_481 : f32
      %select_n3A_510 = arith.select %or3A_508, %select_n3A_489, %select_n3A_482 : i32
      %gt3A_511 = arith.cmpf ogt, %select_n3A_502, %select_n3A_495 : f32
      %eq3A_512 = arith.cmpf oeq, %select_n3A_502, %select_n3A_495 : f32
      %lt3A_513 = arith.cmpi slt, %select_n3A_503, %select_n3A_496 : i32
      %and3A_514 = arith.andi %eq3A_512, %lt3A_513 : i1
      %or3A_515 = arith.ori %gt3A_511, %and3A_514 : i1
      %select_n3A_516 = arith.select %or3A_515, %select_n3A_502, %select_n3A_495 : f32
      %select_n3A_517 = arith.select %or3A_515, %select_n3A_503, %select_n3A_496 : i32
      %gt3A_518 = arith.cmpf ogt, %select_n3A_516, %select_n3A_509 : f32
      %eq3A_519 = arith.cmpf oeq, %select_n3A_516, %select_n3A_509 : f32
      %lt3A_520 = arith.cmpi slt, %select_n3A_517, %select_n3A_510 : i32
      %and3A_521 = arith.andi %eq3A_519, %lt3A_520 : i1
      %or3A_522 = arith.ori %gt3A_518, %and3A_521 : i1
      %select_n3A_523 = arith.select %or3A_522, %select_n3A_516, %select_n3A_509 : f32
      %select_n3A_524 = arith.select %or3A_522, %select_n3A_517, %select_n3A_510 : i32
      %mul3A_525 = arith.constant 128 : i32
      %mul3A_526 = arith.muli %select_n3A_524, %mul3A_525 : i32
      %broadcast_in_dim3A_527 = arith.constant 32768 : i32
      %broadcast_in_dim3A_528 = vector.broadcast %broadcast_in_dim3A_527 : i32 to vector<16xi32>
      %broadcast_in_dim3A_529 = arith.constant 0xFF800000 : f32
      %broadcast_in_dim3A_530 = vector.broadcast %broadcast_in_dim3A_529 : f32 to vector<16xf32>
      %broadcast_in_dim3A_531 = arith.constant 0xFF800000 : f32
      %broadcast_in_dim3A_532 = vector.broadcast %broadcast_in_dim3A_531 : f32 to vector<16xf32>
      %add3A_533 = arith.constant 0 : i32
      %add3A_534 = arith.addi %mul3A_526, %add3A_533 : i32
      %get3A_535 = arith.index_cast %add3A_534 : i32 to index
      %get3A_536 = tpu.vector_load %arg7[%get3A_535] {strides = array<i32>} : memref<32768xf32, #tpu.memory_space<vmem>>, vector<16xf32>,
      %get3A_537 = vector.shape_cast %get3A_536 : vector<16xf32> to vector<16xf32>
      %eq3A_538 = vector.broadcast %select_n3A_523 : f32 to vector<16xf32>
      %eq3A_539 = arith.cmpf oeq, %get3A_537, %eq3A_538 : vector<16xf32>
      %add3A_540 = arith.constant 0 : i32
      %add3A_541 = vector.broadcast %add3A_540 : i32 to vector<16xi32>
      %add3A_542 = arith.addi %iota3A, %add3A_541 : vector<16xi32>
      %jit3A = arith.constant 32768 : i32
      %broadcast_in_dim3A_543 = vector.broadcast %jit3A : i32 to vector<16xi32>
      %select_n3A_544 = arith.select %eq3A_539, %add3A_542, %broadcast_in_dim3A_543 : vector<16xi1>, vector<16xi32>
      %min3A = arith.minsi %broadcast_in_dim3A_528, %select_n3A_544 : vector<16xi32>
      %min3A_545 = arith.minimumf %broadcast_in_dim3A_530, %get3A_537 : vector<16xf32>
      %max3A = arith.maximumf %broadcast_in_dim3A_532, %min3A_545 : vector<16xf32>
      %max3A_546 = arith.maximumf %broadcast_in_dim3A_530, %get3A_537 : vector<16xf32>
      %add3A_547 = arith.constant 16 : i32
      %add3A_548 = arith.addi %mul3A_526, %add3A_547 : i32
      %get3A_549 = arith.index_cast %add3A_548 : i32 to index
      %get3A_550 = tpu.vector_load %arg7[%get3A_549] {strides = array<i32>} : memref<32768xf32, #tpu.memory_space<vmem>>, vector<16xf32>,
      %get3A_551 = vector.shape_cast %get3A_550 : vector<16xf32> to vector<16xf32>
      %eq3A_552 = vector.broadcast %select_n3A_523 : f32 to vector<16xf32>
      %eq3A_553 = arith.cmpf oeq, %get3A_551, %eq3A_552 : vector<16xf32>
      %add3A_554 = arith.constant 16 : i32
      %add3A_555 = vector.broadcast %add3A_554 : i32 to vector<16xi32>
      %add3A_556 = arith.addi %iota3A, %add3A_555 : vector<16xi32>
      %jit3A_557 = arith.constant 32768 : i32
      %broadcast_in_dim3A_558 = vector.broadcast %jit3A_557 : i32 to vector<16xi32>
      %select_n3A_559 = arith.select %eq3A_553, %add3A_556, %broadcast_in_dim3A_558 : vector<16xi1>, vector<16xi32>
      %min3A_560 = arith.minsi %min3A, %select_n3A_559 : vector<16xi32>
      %min3A_561 = arith.minimumf %max3A_546, %get3A_551 : vector<16xf32>
      %max3A_562 = arith.maximumf %max3A, %min3A_561 : vector<16xf32>
      %max3A_563 = arith.maximumf %max3A_546, %get3A_551 : vector<16xf32>
      %add3A_564 = arith.constant 32 : i32
      %add3A_565 = arith.addi %mul3A_526, %add3A_564 : i32
      %get3A_566 = arith.index_cast %add3A_565 : i32 to index
      %get3A_567 = tpu.vector_load %arg7[%get3A_566] {strides = array<i32>} : memref<32768xf32, #tpu.memory_space<vmem>>, vector<16xf32>,
      %get3A_568 = vector.shape_cast %get3A_567 : vector<16xf32> to vector<16xf32>
      %eq3A_569 = vector.broadcast %select_n3A_523 : f32 to vector<16xf32>
      %eq3A_570 = arith.cmpf oeq, %get3A_568, %eq3A_569 : vector<16xf32>
      %add3A_571 = arith.constant 32 : i32
      %add3A_572 = vector.broadcast %add3A_571 : i32 to vector<16xi32>
      %add3A_573 = arith.addi %iota3A, %add3A_572 : vector<16xi32>
      %jit3A_574 = arith.constant 32768 : i32
      %broadcast_in_dim3A_575 = vector.broadcast %jit3A_574 : i32 to vector<16xi32>
      %select_n3A_576 = arith.select %eq3A_570, %add3A_573, %broadcast_in_dim3A_575 : vector<16xi1>, vector<16xi32>
      %min3A_577 = arith.minsi %min3A_560, %select_n3A_576 : vector<16xi32>
      %min3A_578 = arith.minimumf %max3A_563, %get3A_568 : vector<16xf32>
      %max3A_579 = arith.maximumf %max3A_562, %min3A_578 : vector<16xf32>
      %max3A_580 = arith.maximumf %max3A_563, %get3A_568 : vector<16xf32>
      %add3A_581 = arith.constant 48 : i32
      %add3A_582 = arith.addi %mul3A_526, %add3A_581 : i32
      %get3A_583 = arith.index_cast %add3A_582 : i32 to index
      %get3A_584 = tpu.vector_load %arg7[%get3A_583] {strides = array<i32>} : memref<32768xf32, #tpu.memory_space<vmem>>, vector<16xf32>,
      %get3A_585 = vector.shape_cast %get3A_584 : vector<16xf32> to vector<16xf32>
      %eq3A_586 = vector.broadcast %select_n3A_523 : f32 to vector<16xf32>
      %eq3A_587 = arith.cmpf oeq, %get3A_585, %eq3A_586 : vector<16xf32>
      %add3A_588 = arith.constant 48 : i32
      %add3A_589 = vector.broadcast %add3A_588 : i32 to vector<16xi32>
      %add3A_590 = arith.addi %iota3A, %add3A_589 : vector<16xi32>
      %jit3A_591 = arith.constant 32768 : i32
      %broadcast_in_dim3A_592 = vector.broadcast %jit3A_591 : i32 to vector<16xi32>
      %select_n3A_593 = arith.select %eq3A_587, %add3A_590, %broadcast_in_dim3A_592 : vector<16xi1>, vector<16xi32>
      %min3A_594 = arith.minsi %min3A_577, %select_n3A_593 : vector<16xi32>
      %min3A_595 = arith.minimumf %max3A_580, %get3A_585 : vector<16xf32>
      %max3A_596 = arith.maximumf %max3A_579, %min3A_595 : vector<16xf32>
      %max3A_597 = arith.maximumf %max3A_580, %get3A_585 : vector<16xf32>
      %add3A_598 = arith.constant 64 : i32
      %add3A_599 = arith.addi %mul3A_526, %add3A_598 : i32
      %get3A_600 = arith.index_cast %add3A_599 : i32 to index
      %get3A_601 = tpu.vector_load %arg7[%get3A_600] {strides = array<i32>} : memref<32768xf32, #tpu.memory_space<vmem>>, vector<16xf32>,
      %get3A_602 = vector.shape_cast %get3A_601 : vector<16xf32> to vector<16xf32>
      %eq3A_603 = vector.broadcast %select_n3A_523 : f32 to vector<16xf32>
      %eq3A_604 = arith.cmpf oeq, %get3A_602, %eq3A_603 : vector<16xf32>
      %add3A_605 = arith.constant 64 : i32
      %add3A_606 = vector.broadcast %add3A_605 : i32 to vector<16xi32>
      %add3A_607 = arith.addi %iota3A, %add3A_606 : vector<16xi32>
      %jit3A_608 = arith.constant 32768 : i32
      %broadcast_in_dim3A_609 = vector.broadcast %jit3A_608 : i32 to vector<16xi32>
      %select_n3A_610 = arith.select %eq3A_604, %add3A_607, %broadcast_in_dim3A_609 : vector<16xi1>, vector<16xi32>
      %min3A_611 = arith.minsi %min3A_594, %select_n3A_610 : vector<16xi32>
      %min3A_612 = arith.minimumf %max3A_597, %get3A_602 : vector<16xf32>
      %max3A_613 = arith.maximumf %max3A_596, %min3A_612 : vector<16xf32>
      %max3A_614 = arith.maximumf %max3A_597, %get3A_602 : vector<16xf32>
      %add3A_615 = arith.constant 80 : i32
      %add3A_616 = arith.addi %mul3A_526, %add3A_615 : i32
      %get3A_617 = arith.index_cast %add3A_616 : i32 to index
      %get3A_618 = tpu.vector_load %arg7[%get3A_617] {strides = array<i32>} : memref<32768xf32, #tpu.memory_space<vmem>>, vector<16xf32>,
      %get3A_619 = vector.shape_cast %get3A_618 : vector<16xf32> to vector<16xf32>
      %eq3A_620 = vector.broadcast %select_n3A_523 : f32 to vector<16xf32>
      %eq3A_621 = arith.cmpf oeq, %get3A_619, %eq3A_620 : vector<16xf32>
      %add3A_622 = arith.constant 80 : i32
      %add3A_623 = vector.broadcast %add3A_622 : i32 to vector<16xi32>
      %add3A_624 = arith.addi %iota3A, %add3A_623 : vector<16xi32>
      %jit3A_625 = arith.constant 32768 : i32
      %broadcast_in_dim3A_626 = vector.broadcast %jit3A_625 : i32 to vector<16xi32>
      %select_n3A_627 = arith.select %eq3A_621, %add3A_624, %broadcast_in_dim3A_626 : vector<16xi1>, vector<16xi32>
      %min3A_628 = arith.minsi %min3A_611, %select_n3A_627 : vector<16xi32>
      %min3A_629 = arith.minimumf %max3A_614, %get3A_619 : vector<16xf32>
      %max3A_630 = arith.maximumf %max3A_613, %min3A_629 : vector<16xf32>
      %max3A_631 = arith.maximumf %max3A_614, %get3A_619 : vector<16xf32>
      %add3A_632 = arith.constant 96 : i32
      %add3A_633 = arith.addi %mul3A_526, %add3A_632 : i32
      %get3A_634 = arith.index_cast %add3A_633 : i32 to index
      %get3A_635 = tpu.vector_load %arg7[%get3A_634] {strides = array<i32>} : memref<32768xf32, #tpu.memory_space<vmem>>, vector<16xf32>,
      %get3A_636 = vector.shape_cast %get3A_635 : vector<16xf32> to vector<16xf32>
      %eq3A_637 = vector.broadcast %select_n3A_523 : f32 to vector<16xf32>
      %eq3A_638 = arith.cmpf oeq, %get3A_636, %eq3A_637 : vector<16xf32>
      %add3A_639 = arith.constant 96 : i32
      %add3A_640 = vector.broadcast %add3A_639 : i32 to vector<16xi32>
      %add3A_641 = arith.addi %iota3A, %add3A_640 : vector<16xi32>
      %jit3A_642 = arith.constant 32768 : i32
      %broadcast_in_dim3A_643 = vector.broadcast %jit3A_642 : i32 to vector<16xi32>
      %select_n3A_644 = arith.select %eq3A_638, %add3A_641, %broadcast_in_dim3A_643 : vector<16xi1>, vector<16xi32>
      %min3A_645 = arith.minsi %min3A_628, %select_n3A_644 : vector<16xi32>
      %min3A_646 = arith.minimumf %max3A_631, %get3A_636 : vector<16xf32>
      %max3A_647 = arith.maximumf %max3A_630, %min3A_646 : vector<16xf32>
      %max3A_648 = arith.maximumf %max3A_631, %get3A_636 : vector<16xf32>
      %add3A_649 = arith.constant 112 : i32
      %add3A_650 = arith.addi %mul3A_526, %add3A_649 : i32
      %get3A_651 = arith.index_cast %add3A_650 : i32 to index
      %get3A_652 = tpu.vector_load %arg7[%get3A_651] {strides = array<i32>} : memref<32768xf32, #tpu.memory_space<vmem>>, vector<16xf32>,
      %get3A_653 = vector.shape_cast %get3A_652 : vector<16xf32> to vector<16xf32>
      %eq3A_654 = vector.broadcast %select_n3A_523 : f32 to vector<16xf32>
      %eq3A_655 = arith.cmpf oeq, %get3A_653, %eq3A_654 : vector<16xf32>
      %add3A_656 = arith.constant 112 : i32
      %add3A_657 = vector.broadcast %add3A_656 : i32 to vector<16xi32>
      %add3A_658 = arith.addi %iota3A, %add3A_657 : vector<16xi32>
      %jit3A_659 = arith.constant 32768 : i32
      %broadcast_in_dim3A_660 = vector.broadcast %jit3A_659 : i32 to vector<16xi32>
      %select_n3A_661 = arith.select %eq3A_655, %add3A_658, %broadcast_in_dim3A_660 : vector<16xi1>, vector<16xi32>
      %min3A_662 = arith.minsi %min3A_645, %select_n3A_661 : vector<16xi32>
      %min3A_663 = arith.minimumf %max3A_648, %get3A_653 : vector<16xf32>
      %max3A_664 = arith.maximumf %max3A_647, %min3A_663 : vector<16xf32>
      %max3A_665 = arith.maximumf %max3A_648, %get3A_653 : vector<16xf32>
      %slice3A_666 = vector.extract_strided_slice %min3A_662 {offsets = [0], sizes = [1], strides = [1]} : vector<16xi32> to vector<1xi32>
      %squeeze3A_667 = vector.extract %slice3A_666[0] : i32 from vector<1xi32>
      %slice3A_668 = vector.extract_strided_slice %min3A_662 {offsets = [1], sizes = [1], strides = [1]} : vector<16xi32> to vector<1xi32>
      %squeeze3A_669 = vector.extract %slice3A_668[0] : i32 from vector<1xi32>
      %slice3A_670 = vector.extract_strided_slice %min3A_662 {offsets = [2], sizes = [1], strides = [1]} : vector<16xi32> to vector<1xi32>
      %squeeze3A_671 = vector.extract %slice3A_670[0] : i32 from vector<1xi32>
      %slice3A_672 = vector.extract_strided_slice %min3A_662 {offsets = [3], sizes = [1], strides = [1]} : vector<16xi32> to vector<1xi32>
      %squeeze3A_673 = vector.extract %slice3A_672[0] : i32 from vector<1xi32>
      %slice3A_674 = vector.extract_strided_slice %min3A_662 {offsets = [4], sizes = [1], strides = [1]} : vector<16xi32> to vector<1xi32>
      %squeeze3A_675 = vector.extract %slice3A_674[0] : i32 from vector<1xi32>
      %slice3A_676 = vector.extract_strided_slice %min3A_662 {offsets = [5], sizes = [1], strides = [1]} : vector<16xi32> to vector<1xi32>
      %squeeze3A_677 = vector.extract %slice3A_676[0] : i32 from vector<1xi32>
      %slice3A_678 = vector.extract_strided_slice %min3A_662 {offsets = [6], sizes = [1], strides = [1]} : vector<16xi32> to vector<1xi32>
      %squeeze3A_679 = vector.extract %slice3A_678[0] : i32 from vector<1xi32>
      %slice3A_680 = vector.extract_strided_slice %min3A_662 {offsets = [7], sizes = [1], strides = [1]} : vector<16xi32> to vector<1xi32>
      %squeeze3A_681 = vector.extract %slice3A_680[0] : i32 from vector<1xi32>
      %slice3A_682 = vector.extract_strided_slice %min3A_662 {offsets = [8], sizes = [1], strides = [1]} : vector<16xi32> to vector<1xi32>
      %squeeze3A_683 = vector.extract %slice3A_682[0] : i32 from vector<1xi32>
      %slice3A_684 = vector.extract_strided_slice %min3A_662 {offsets = [9], sizes = [1], strides = [1]} : vector<16xi32> to vector<1xi32>
      %squeeze3A_685 = vector.extract %slice3A_684[0] : i32 from vector<1xi32>
      %slice3A_686 = vector.extract_strided_slice %min3A_662 {offsets = [10], sizes = [1], strides = [1]} : vector<16xi32> to vector<1xi32>
      %squeeze3A_687 = vector.extract %slice3A_686[0] : i32 from vector<1xi32>
      %slice3A_688 = vector.extract_strided_slice %min3A_662 {offsets = [11], sizes = [1], strides = [1]} : vector<16xi32> to vector<1xi32>
      %squeeze3A_689 = vector.extract %slice3A_688[0] : i32 from vector<1xi32>
      %slice3A_690 = vector.extract_strided_slice %min3A_662 {offsets = [12], sizes = [1], strides = [1]} : vector<16xi32> to vector<1xi32>
      %squeeze3A_691 = vector.extract %slice3A_690[0] : i32 from vector<1xi32>
      %slice3A_692 = vector.extract_strided_slice %min3A_662 {offsets = [13], sizes = [1], strides = [1]} : vector<16xi32> to vector<1xi32>
      %squeeze3A_693 = vector.extract %slice3A_692[0] : i32 from vector<1xi32>
      %slice3A_694 = vector.extract_strided_slice %min3A_662 {offsets = [14], sizes = [1], strides = [1]} : vector<16xi32> to vector<1xi32>
      %squeeze3A_695 = vector.extract %slice3A_694[0] : i32 from vector<1xi32>
      %slice3A_696 = vector.extract_strided_slice %min3A_662 {offsets = [15], sizes = [1], strides = [1]} : vector<16xi32> to vector<1xi32>
      %squeeze3A_697 = vector.extract %slice3A_696[0] : i32 from vector<1xi32>
      %min3A_698 = arith.minsi %squeeze3A_667, %squeeze3A_669 : i32
      %min3A_699 = arith.minsi %squeeze3A_671, %squeeze3A_673 : i32
      %min3A_700 = arith.minsi %squeeze3A_675, %squeeze3A_677 : i32
      %min3A_701 = arith.minsi %squeeze3A_679, %squeeze3A_681 : i32
      %min3A_702 = arith.minsi %squeeze3A_683, %squeeze3A_685 : i32
      %min3A_703 = arith.minsi %squeeze3A_687, %squeeze3A_689 : i32
      %min3A_704 = arith.minsi %squeeze3A_691, %squeeze3A_693 : i32
      %min3A_705 = arith.minsi %squeeze3A_695, %squeeze3A_697 : i32
      %min3A_706 = arith.minsi %min3A_698, %min3A_699 : i32
      %min3A_707 = arith.minsi %min3A_700, %min3A_701 : i32
      %min3A_708 = arith.minsi %min3A_702, %min3A_703 : i32
      %min3A_709 = arith.minsi %min3A_704, %min3A_705 : i32
      %min3A_710 = arith.minsi %min3A_706, %min3A_707 : i32
      %min3A_711 = arith.minsi %min3A_708, %min3A_709 : i32
      %min3A_712 = arith.minsi %min3A_710, %min3A_711 : i32
      %add3A_713 = arith.addi %mul3A_526, %min3A_712 : i32
      %eq3A_714 = vector.broadcast %scan3A_125 : i32 to vector<16xi32>
      %eq3A_715 = arith.cmpi eq, %iota3A, %eq3A_714 : vector<16xi32>
      %broadcast_in_dim3A_716 = vector.broadcast %add3A_713 : i32 to vector<16xi32>
      %select_n3A_717 = arith.select %eq3A_715, %broadcast_in_dim3A_716, %scan3A_126 : vector<16xi1>, vector<16xi32>
      %sub3A = arith.constant 16 : i32
      %sub3A_718 = arith.subi %scan3A_125, %sub3A : i32
      %eq3A_719 = vector.broadcast %sub3A_718 : i32 to vector<16xi32>
      %eq3A_720 = arith.cmpi eq, %iota3A, %eq3A_719 : vector<16xi32>
      %broadcast_in_dim3A_721 = vector.broadcast %add3A_713 : i32 to vector<16xi32>
      %select_n3A_722 = arith.select %eq3A_720, %broadcast_in_dim3A_721, %scan3A_127 : vector<16xi1>, vector<16xi32>
      %eq3A_723 = vector.broadcast %scan3A_125 : i32 to vector<16xi32>
      %eq3A_724 = arith.cmpi eq, %iota3A, %eq3A_723 : vector<16xi32>
      %broadcast_in_dim3A_725 = vector.broadcast %select_n3A_523 : f32 to vector<16xf32>
      %select_n3A_726 = arith.select %eq3A_724, %broadcast_in_dim3A_725, %scan3A_128 : vector<16xi1>, vector<16xf32>
      %sub3A_727 = arith.constant 16 : i32
      %sub3A_728 = arith.subi %scan3A_125, %sub3A_727 : i32
      %eq3A_729 = vector.broadcast %sub3A_728 : i32 to vector<16xi32>
      %eq3A_730 = arith.cmpi eq, %iota3A, %eq3A_729 : vector<16xi32>
      %broadcast_in_dim3A_731 = vector.broadcast %select_n3A_523 : f32 to vector<16xf32>
      %select_n3A_732 = arith.select %eq3A_730, %broadcast_in_dim3A_731, %scan3A_129 : vector<16xi1>, vector<16xf32>
      %dma_start3A_733 = arith.constant 0 : i32
      %dma_start3A_734 = tpu.memref_slice %arg9[%scan3A_125, %dma_start3A_733] : memref<32x1024xf32, #tpu.memory_space<vmem>> -> memref<1x1024xf32, #tpu.memory_space<vmem>>
      %dma_start3A_735 = tpu.memref_squeeze %dma_start3A_734 : memref<1x1024xf32, #tpu.memory_space<vmem>> -> memref<1024xf32, #tpu.memory_space<vmem>>
      %dma_start3A_736 = arith.constant 0 : i32
      %dma_start3A_737 = tpu.memref_slice %arg4[%add3A_713, %dma_start3A_736] : memref<32768x1024xf32, #tpu.memory_space<hbm>> -> memref<1x1024xf32, #tpu.memory_space<hbm>>
      %dma_start3A_738 = tpu.memref_squeeze %dma_start3A_737 : memref<1x1024xf32, #tpu.memory_space<hbm>> -> memref<1024xf32, #tpu.memory_space<hbm>>
      %dma_start3A_739 = arith.constant 0 : i32
      %dma_start3A_740 = tpu.memref_slice %arg9[%scan3A_125, %dma_start3A_739] : memref<32x1024xf32, #tpu.memory_space<vmem>> -> memref<1x1024xf32, #tpu.memory_space<vmem>>
      %dma_start3A_741 = tpu.memref_squeeze %dma_start3A_740 : memref<1x1024xf32, #tpu.memory_space<vmem>> -> memref<1024xf32, #tpu.memory_space<vmem>>
      %dma_start3A_742 = arith.constant 0 : i32
      %dma_start3A_743 = tpu.memref_slice %arg4[%add3A_713, %dma_start3A_742] : memref<32768x1024xf32, #tpu.memory_space<hbm>> -> memref<1x1024xf32, #tpu.memory_space<hbm>>
      %dma_start3A_744 = tpu.memref_squeeze %dma_start3A_743 : memref<1x1024xf32, #tpu.memory_space<hbm>> -> memref<1024xf32, #tpu.memory_space<hbm>>
      tpu.enqueue_dma source(%dma_start3A_744 : memref<1024xf32, #tpu.memory_space<hbm>>) target(%dma_start3A_741 : memref<1024xf32, #tpu.memory_space<vmem>>) target_semaphore(%arg12 : memref<!tpu.dma_semaphore, #tpu.memory_space<semaphore_mem>>)
      %jit3A_745 = arith.constant 16 : i32
      %div3A = arith.divsi %add3A_713, %jit3A_745 : i32
      %sign3A = arith.constant 0 : i32
      %sign3A_746 = arith.cmpi sgt, %add3A_713, %sign3A : i32
      %sign3A_747 = arith.extui %sign3A_746 : i1 to i32
      %sign3A_748 = arith.constant 0 : i32
      %sign3A_749 = arith.cmpi slt, %add3A_713, %sign3A_748 : i32
      %sign3A_750 = arith.extui %sign3A_749 : i1 to i32
      %sign3A_751 = arith.subi %sign3A_747, %sign3A_750 : i32
      %sign3A_752 = arith.constant 0 : i32
      %sign3A_753 = arith.cmpi sgt, %jit3A_745, %sign3A_752 : i32
      %sign3A_754 = arith.extui %sign3A_753 : i1 to i32
      %sign3A_755 = arith.constant 0 : i32
      %sign3A_756 = arith.cmpi slt, %jit3A_745, %sign3A_755 : i32
      %sign3A_757 = arith.extui %sign3A_756 : i1 to i32
      %sign3A_758 = arith.subi %sign3A_754, %sign3A_757 : i32
      %ne3A = arith.cmpi ne, %sign3A_751, %sign3A_758 : i32
      %rem3A = arith.remsi %add3A_713, %jit3A_745 : i32
      %ne3A_759 = arith.constant 0 : i32
      %ne3A_760 = arith.cmpi ne, %rem3A, %ne3A_759 : i32
      %and3A_761 = arith.andi %ne3A, %ne3A_760 : i1
      %sub3A_762 = arith.constant 1 : i32
      %sub3A_763 = arith.subi %div3A, %sub3A_762 : i32
      %select_n3A_764 = arith.select %and3A_761, %sub3A_763, %div3A : i32
      %mul3A_765 = arith.constant 16 : i32
      %mul3A_766 = arith.muli %select_n3A_764, %mul3A_765 : i32
      %get3A_767 = arith.index_cast %mul3A_766 : i32 to index
      %get3A_768 = tpu.vector_load %arg7[%get3A_767] {strides = array<i32>} : memref<32768xf32, #tpu.memory_space<vmem>>, vector<16xf32>,
      %get3A_769 = vector.shape_cast %get3A_768 : vector<16xf32> to vector<16xf32>
      %sub3A_770 = arith.subi %add3A_713, %mul3A_766 : i32
      %eq3A_771 = vector.broadcast %sub3A_770 : i32 to vector<16xi32>
      %eq3A_772 = arith.cmpi eq, %iota3A, %eq3A_771 : vector<16xi32>
      %jit3A_773 = arith.constant 0xFF800000 : f32
      %broadcast_in_dim3A_774 = vector.broadcast %jit3A_773 : f32 to vector<16xf32>
      %select_n3A_775 = arith.select %eq3A_772, %broadcast_in_dim3A_774, %get3A_769 : vector<16xi1>, vector<16xf32>
      %swap3A = arith.index_cast %mul3A_766 : i32 to index
      %swap3A_776 = tpu.vector_load %arg7[%swap3A] {strides = array<i32>} : memref<32768xf32, #tpu.memory_space<vmem>>, vector<16xf32>,
      %swap3A_777 = vector.shape_cast %swap3A_776 : vector<16xf32> to vector<16xf32>
      %swap3A_778 = vector.shape_cast %select_n3A_775 : vector<16xf32> to vector<16xf32>
      tpu.vector_store %arg7[%swap3A], %swap3A_778 {strides = array<i32>} : memref<32768xf32, #tpu.memory_space<vmem>>, vector<16xf32>,
      %jit3A_779 = arith.constant 16 : i32
      %div3A_780 = arith.divsi %min3A_712, %jit3A_779 : i32
      %sign3A_781 = arith.constant 0 : i32
      %sign3A_782 = arith.cmpi sgt, %min3A_712, %sign3A_781 : i32
      %sign3A_783 = arith.extui %sign3A_782 : i1 to i32
      %sign3A_784 = arith.constant 0 : i32
      %sign3A_785 = arith.cmpi slt, %min3A_712, %sign3A_784 : i32
      %sign3A_786 = arith.extui %sign3A_785 : i1 to i32
      %sign3A_787 = arith.subi %sign3A_783, %sign3A_786 : i32
      %sign3A_788 = arith.constant 0 : i32
      %sign3A_789 = arith.cmpi sgt, %jit3A_779, %sign3A_788 : i32
      %sign3A_790 = arith.extui %sign3A_789 : i1 to i32
      %sign3A_791 = arith.constant 0 : i32
      %sign3A_792 = arith.cmpi slt, %jit3A_779, %sign3A_791 : i32
      %sign3A_793 = arith.extui %sign3A_792 : i1 to i32
      %sign3A_794 = arith.subi %sign3A_790, %sign3A_793 : i32
      %ne3A_795 = arith.cmpi ne, %sign3A_787, %sign3A_794 : i32
      %rem3A_796 = arith.remsi %min3A_712, %jit3A_779 : i32
      %ne3A_797 = arith.constant 0 : i32
      %ne3A_798 = arith.cmpi ne, %rem3A_796, %ne3A_797 : i32
      %and3A_799 = arith.andi %ne3A_795, %ne3A_798 : i1
      %sub3A_800 = arith.constant 1 : i32
      %sub3A_801 = arith.subi %div3A_780, %sub3A_800 : i32
      %select_n3A_802 = arith.select %and3A_799, %sub3A_801, %div3A_780 : i32
      %mul3A_803 = arith.constant 16 : i32
      %mul3A_804 = arith.muli %select_n3A_802, %mul3A_803 : i32
      %sub3A_805 = arith.subi %min3A_712, %mul3A_804 : i32
      %eq3A_806 = vector.broadcast %sub3A_805 : i32 to vector<16xi32>
      %eq3A_807 = arith.cmpi eq, %iota3A, %eq3A_806 : vector<16xi32>
      %select_n3A_808 = arith.select %eq3A_807, %max3A_664, %max3A_665 : vector<16xi1>, vector<16xf32>
      %slice3A_809 = vector.extract_strided_slice %select_n3A_808 {offsets = [0], sizes = [1], strides = [1]} : vector<16xf32> to vector<1xf32>
      %squeeze3A_810 = vector.extract %slice3A_809[0] : f32 from vector<1xf32>
      %slice3A_811 = vector.extract_strided_slice %select_n3A_808 {offsets = [1], sizes = [1], strides = [1]} : vector<16xf32> to vector<1xf32>
      %squeeze3A_812 = vector.extract %slice3A_811[0] : f32 from vector<1xf32>
      %slice3A_813 = vector.extract_strided_slice %select_n3A_808 {offsets = [2], sizes = [1], strides = [1]} : vector<16xf32> to vector<1xf32>
      %squeeze3A_814 = vector.extract %slice3A_813[0] : f32 from vector<1xf32>
      %slice3A_815 = vector.extract_strided_slice %select_n3A_808 {offsets = [3], sizes = [1], strides = [1]} : vector<16xf32> to vector<1xf32>
      %squeeze3A_816 = vector.extract %slice3A_815[0] : f32 from vector<1xf32>
      %slice3A_817 = vector.extract_strided_slice %select_n3A_808 {offsets = [4], sizes = [1], strides = [1]} : vector<16xf32> to vector<1xf32>
      %squeeze3A_818 = vector.extract %slice3A_817[0] : f32 from vector<1xf32>
      %slice3A_819 = vector.extract_strided_slice %select_n3A_808 {offsets = [5], sizes = [1], strides = [1]} : vector<16xf32> to vector<1xf32>
      %squeeze3A_820 = vector.extract %slice3A_819[0] : f32 from vector<1xf32>
      %slice3A_821 = vector.extract_strided_slice %select_n3A_808 {offsets = [6], sizes = [1], strides = [1]} : vector<16xf32> to vector<1xf32>
      %squeeze3A_822 = vector.extract %slice3A_821[0] : f32 from vector<1xf32>
      %slice3A_823 = vector.extract_strided_slice %select_n3A_808 {offsets = [7], sizes = [1], strides = [1]} : vector<16xf32> to vector<1xf32>
      %squeeze3A_824 = vector.extract %slice3A_823[0] : f32 from vector<1xf32>
      %slice3A_825 = vector.extract_strided_slice %select_n3A_808 {offsets = [8], sizes = [1], strides = [1]} : vector<16xf32> to vector<1xf32>
      %squeeze3A_826 = vector.extract %slice3A_825[0] : f32 from vector<1xf32>
      %slice3A_827 = vector.extract_strided_slice %select_n3A_808 {offsets = [9], sizes = [1], strides = [1]} : vector<16xf32> to vector<1xf32>
      %squeeze3A_828 = vector.extract %slice3A_827[0] : f32 from vector<1xf32>
      %slice3A_829 = vector.extract_strided_slice %select_n3A_808 {offsets = [10], sizes = [1], strides = [1]} : vector<16xf32> to vector<1xf32>
      %squeeze3A_830 = vector.extract %slice3A_829[0] : f32 from vector<1xf32>
      %slice3A_831 = vector.extract_strided_slice %select_n3A_808 {offsets = [11], sizes = [1], strides = [1]} : vector<16xf32> to vector<1xf32>
      %squeeze3A_832 = vector.extract %slice3A_831[0] : f32 from vector<1xf32>
      %slice3A_833 = vector.extract_strided_slice %select_n3A_808 {offsets = [12], sizes = [1], strides = [1]} : vector<16xf32> to vector<1xf32>
      %squeeze3A_834 = vector.extract %slice3A_833[0] : f32 from vector<1xf32>
      %slice3A_835 = vector.extract_strided_slice %select_n3A_808 {offsets = [13], sizes = [1], strides = [1]} : vector<16xf32> to vector<1xf32>
      %squeeze3A_836 = vector.extract %slice3A_835[0] : f32 from vector<1xf32>
      %slice3A_837 = vector.extract_strided_slice %select_n3A_808 {offsets = [14], sizes = [1], strides = [1]} : vector<16xf32> to vector<1xf32>
      %squeeze3A_838 = vector.extract %slice3A_837[0] : f32 from vector<1xf32>
      %slice3A_839 = vector.extract_strided_slice %select_n3A_808 {offsets = [15], sizes = [1], strides = [1]} : vector<16xf32> to vector<1xf32>
      %squeeze3A_840 = vector.extract %slice3A_839[0] : f32 from vector<1xf32>
      %max3A_841 = arith.maximumf %squeeze3A_810, %squeeze3A_812 : f32
      %max3A_842 = arith.maximumf %squeeze3A_814, %squeeze3A_816 : f32
      %max3A_843 = arith.maximumf %squeeze3A_818, %squeeze3A_820 : f32
      %max3A_844 = arith.maximumf %squeeze3A_822, %squeeze3A_824 : f32
      %max3A_845 = arith.maximumf %squeeze3A_826, %squeeze3A_828 : f32
      %max3A_846 = arith.maximumf %squeeze3A_830, %squeeze3A_832 : f32
      %max3A_847 = arith.maximumf %squeeze3A_834, %squeeze3A_836 : f32
      %max3A_848 = arith.maximumf %squeeze3A_838, %squeeze3A_840 : f32
      %max3A_849 = arith.maximumf %max3A_841, %max3A_842 : f32
      %max3A_850 = arith.maximumf %max3A_843, %max3A_844 : f32
      %max3A_851 = arith.maximumf %max3A_845, %max3A_846 : f32
      %max3A_852 = arith.maximumf %max3A_847, %max3A_848 : f32
      %max3A_853 = arith.maximumf %max3A_849, %max3A_850 : f32
      %max3A_854 = arith.maximumf %max3A_851, %max3A_852 : f32
      %max3A_855 = arith.maximumf %max3A_853, %max3A_854 : f32
      %jit3A_856 = arith.constant 16 : i32
      %div3A_857 = arith.divsi %select_n3A_524, %jit3A_856 : i32
      %sign3A_858 = arith.constant 0 : i32
      %sign3A_859 = arith.cmpi sgt, %select_n3A_524, %sign3A_858 : i32
      %sign3A_860 = arith.extui %sign3A_859 : i1 to i32
      %sign3A_861 = arith.constant 0 : i32
      %sign3A_862 = arith.cmpi slt, %select_n3A_524, %sign3A_861 : i32
      %sign3A_863 = arith.extui %sign3A_862 : i1 to i32
      %sign3A_864 = arith.subi %sign3A_860, %sign3A_863 : i32
      %sign3A_865 = arith.constant 0 : i32
      %sign3A_866 = arith.cmpi sgt, %jit3A_856, %sign3A_865 : i32
      %sign3A_867 = arith.extui %sign3A_866 : i1 to i32
      %sign3A_868 = arith.constant 0 : i32
      %sign3A_869 = arith.cmpi slt, %jit3A_856, %sign3A_868 : i32
      %sign3A_870 = arith.extui %sign3A_869 : i1 to i32
      %sign3A_871 = arith.subi %sign3A_867, %sign3A_870 : i32
      %ne3A_872 = arith.cmpi ne, %sign3A_864, %sign3A_871 : i32
      %rem3A_873 = arith.remsi %select_n3A_524, %jit3A_856 : i32
      %ne3A_874 = arith.constant 0 : i32
      %ne3A_875 = arith.cmpi ne, %rem3A_873, %ne3A_874 : i32
      %and3A_876 = arith.andi %ne3A_872, %ne3A_875 : i1
      %sub3A_877 = arith.constant 1 : i32
      %sub3A_878 = arith.subi %div3A_857, %sub3A_877 : i32
      %select_n3A_879 = arith.select %and3A_876, %sub3A_878, %div3A_857 : i32
      %get3A_880 = arith.index_cast %select_n3A_879 : i32 to index
      %get3A_881 = arith.constant 0 : index
      %get3A_882 = tpu.vector_load %arg8[%get3A_880, %get3A_881] {strides = array<i32>} : memref<16x16xf32, #tpu.memory_space<vmem>>, vector<1x16xf32>,
      %get3A_883 = vector.shape_cast %get3A_882 : vector<1x16xf32> to vector<16xf32>
      %mul3A_884 = arith.constant 16 : i32
      %mul3A_885 = arith.muli %select_n3A_879, %mul3A_884 : i32
      %sub3A_886 = arith.subi %select_n3A_524, %mul3A_885 : i32
      %eq3A_887 = vector.broadcast %sub3A_886 : i32 to vector<16xi32>
      %eq3A_888 = arith.cmpi eq, %iota3A, %eq3A_887 : vector<16xi32>
      %broadcast_in_dim3A_889 = vector.broadcast %max3A_855 : f32 to vector<16xf32>
      %select_n3A_890 = arith.select %eq3A_888, %broadcast_in_dim3A_889, %get3A_883 : vector<16xi1>, vector<16xf32>
      %swap3A_891 = arith.index_cast %select_n3A_879 : i32 to index
      %swap3A_892 = arith.constant 0 : index
      %swap3A_893 = tpu.vector_load %arg8[%swap3A_891, %swap3A_892] {strides = array<i32>} : memref<16x16xf32, #tpu.memory_space<vmem>>, vector<1x16xf32>,
      %swap3A_894 = vector.shape_cast %swap3A_893 : vector<1x16xf32> to vector<16xf32>
      %swap3A_895 = vector.shape_cast %select_n3A_890 : vector<16xf32> to vector<1x16xf32>
      tpu.vector_store %arg8[%swap3A_891, %swap3A_892], %swap3A_895 {strides = array<i32>} : memref<16x16xf32, #tpu.memory_space<vmem>>, vector<1x16xf32>,
      scf.yield %select_n3A_717, %select_n3A_722, %select_n3A_726, %select_n3A_732 : vector<16xi32>, vector<16xi32>, vector<16xf32>, vector<16xf32>
    }
    %scan3A_18 = arith.constant 32 : i32
    %slice3A = vector.extract_strided_slice %scan3A_17#2 {offsets = [0], sizes = [1], strides = [1]} : vector<16xf32> to vector<1xf32>
    %squeeze3A = vector.extract %slice3A[0] : f32 from vector<1xf32>
    %broadcast_in_dim3A_19 = vector.broadcast %squeeze3A : f32 to vector<16xf32>
    %slice3A_20 = vector.extract_strided_slice %scan3A_17#2 {offsets = [1], sizes = [1], strides = [1]} : vector<16xf32> to vector<1xf32>
    %squeeze3A_21 = vector.extract %slice3A_20[0] : f32 from vector<1xf32>
    %broadcast_in_dim3A_22 = vector.broadcast %squeeze3A_21 : f32 to vector<16xf32>
    %slice3A_23 = vector.extract_strided_slice %scan3A_17#2 {offsets = [2], sizes = [1], strides = [1]} : vector<16xf32> to vector<1xf32>
    %squeeze3A_24 = vector.extract %slice3A_23[0] : f32 from vector<1xf32>
    %broadcast_in_dim3A_25 = vector.broadcast %squeeze3A_24 : f32 to vector<16xf32>
    %slice3A_26 = vector.extract_strided_slice %scan3A_17#2 {offsets = [3], sizes = [1], strides = [1]} : vector<16xf32> to vector<1xf32>
    %squeeze3A_27 = vector.extract %slice3A_26[0] : f32 from vector<1xf32>
    %broadcast_in_dim3A_28 = vector.broadcast %squeeze3A_27 : f32 to vector<16xf32>
    %slice3A_29 = vector.extract_strided_slice %scan3A_17#2 {offsets = [4], sizes = [1], strides = [1]} : vector<16xf32> to vector<1xf32>
    %squeeze3A_30 = vector.extract %slice3A_29[0] : f32 from vector<1xf32>
    %broadcast_in_dim3A_31 = vector.broadcast %squeeze3A_30 : f32 to vector<16xf32>
    %slice3A_32 = vector.extract_strided_slice %scan3A_17#2 {offsets = [5], sizes = [1], strides = [1]} : vector<16xf32> to vector<1xf32>
    %squeeze3A_33 = vector.extract %slice3A_32[0] : f32 from vector<1xf32>
    %broadcast_in_dim3A_34 = vector.broadcast %squeeze3A_33 : f32 to vector<16xf32>
    %slice3A_35 = vector.extract_strided_slice %scan3A_17#2 {offsets = [6], sizes = [1], strides = [1]} : vector<16xf32> to vector<1xf32>
    %squeeze3A_36 = vector.extract %slice3A_35[0] : f32 from vector<1xf32>
    %broadcast_in_dim3A_37 = vector.broadcast %squeeze3A_36 : f32 to vector<16xf32>
    %slice3A_38 = vector.extract_strided_slice %scan3A_17#2 {offsets = [7], sizes = [1], strides = [1]} : vector<16xf32> to vector<1xf32>
    %squeeze3A_39 = vector.extract %slice3A_38[0] : f32 from vector<1xf32>
    %broadcast_in_dim3A_40 = vector.broadcast %squeeze3A_39 : f32 to vector<16xf32>
    %slice3A_41 = vector.extract_strided_slice %scan3A_17#2 {offsets = [8], sizes = [1], strides = [1]} : vector<16xf32> to vector<1xf32>
    %squeeze3A_42 = vector.extract %slice3A_41[0] : f32 from vector<1xf32>
    %broadcast_in_dim3A_43 = vector.broadcast %squeeze3A_42 : f32 to vector<16xf32>
    %slice3A_44 = vector.extract_strided_slice %scan3A_17#2 {offsets = [9], sizes = [1], strides = [1]} : vector<16xf32> to vector<1xf32>
    %squeeze3A_45 = vector.extract %slice3A_44[0] : f32 from vector<1xf32>
    %broadcast_in_dim3A_46 = vector.broadcast %squeeze3A_45 : f32 to vector<16xf32>
    %slice3A_47 = vector.extract_strided_slice %scan3A_17#2 {offsets = [10], sizes = [1], strides = [1]} : vector<16xf32> to vector<1xf32>
    %squeeze3A_48 = vector.extract %slice3A_47[0] : f32 from vector<1xf32>
    %broadcast_in_dim3A_49 = vector.broadcast %squeeze3A_48 : f32 to vector<16xf32>
    %slice3A_50 = vector.extract_strided_slice %scan3A_17#2 {offsets = [11], sizes = [1], strides = [1]} : vector<16xf32> to vector<1xf32>
    %squeeze3A_51 = vector.extract %slice3A_50[0] : f32 from vector<1xf32>
    %broadcast_in_dim3A_52 = vector.broadcast %squeeze3A_51 : f32 to vector<16xf32>
    %slice3A_53 = vector.extract_strided_slice %scan3A_17#2 {offsets = [12], sizes = [1], strides = [1]} : vector<16xf32> to vector<1xf32>
    %squeeze3A_54 = vector.extract %slice3A_53[0] : f32 from vector<1xf32>
    %broadcast_in_dim3A_55 = vector.broadcast %squeeze3A_54 : f32 to vector<16xf32>
    %slice3A_56 = vector.extract_strided_slice %scan3A_17#2 {offsets = [13], sizes = [1], strides = [1]} : vector<16xf32> to vector<1xf32>
    %squeeze3A_57 = vector.extract %slice3A_56[0] : f32 from vector<1xf32>
    %broadcast_in_dim3A_58 = vector.broadcast %squeeze3A_57 : f32 to vector<16xf32>
    %slice3A_59 = vector.extract_strided_slice %scan3A_17#2 {offsets = [14], sizes = [1], strides = [1]} : vector<16xf32> to vector<1xf32>
    %squeeze3A_60 = vector.extract %slice3A_59[0] : f32 from vector<1xf32>
    %broadcast_in_dim3A_61 = vector.broadcast %squeeze3A_60 : f32 to vector<16xf32>
    %slice3A_62 = vector.extract_strided_slice %scan3A_17#2 {offsets = [15], sizes = [1], strides = [1]} : vector<16xf32> to vector<1xf32>
    %squeeze3A_63 = vector.extract %slice3A_62[0] : f32 from vector<1xf32>
    %broadcast_in_dim3A_64 = vector.broadcast %squeeze3A_63 : f32 to vector<16xf32>
    %slice3A_65 = vector.extract_strided_slice %scan3A_17#3 {offsets = [0], sizes = [1], strides = [1]} : vector<16xf32> to vector<1xf32>
    %squeeze3A_66 = vector.extract %slice3A_65[0] : f32 from vector<1xf32>
    %broadcast_in_dim3A_67 = vector.broadcast %squeeze3A_66 : f32 to vector<16xf32>
    %slice3A_68 = vector.extract_strided_slice %scan3A_17#3 {offsets = [1], sizes = [1], strides = [1]} : vector<16xf32> to vector<1xf32>
    %squeeze3A_69 = vector.extract %slice3A_68[0] : f32 from vector<1xf32>
    %broadcast_in_dim3A_70 = vector.broadcast %squeeze3A_69 : f32 to vector<16xf32>
    %slice3A_71 = vector.extract_strided_slice %scan3A_17#3 {offsets = [2], sizes = [1], strides = [1]} : vector<16xf32> to vector<1xf32>
    %squeeze3A_72 = vector.extract %slice3A_71[0] : f32 from vector<1xf32>
    %broadcast_in_dim3A_73 = vector.broadcast %squeeze3A_72 : f32 to vector<16xf32>
    %slice3A_74 = vector.extract_strided_slice %scan3A_17#3 {offsets = [3], sizes = [1], strides = [1]} : vector<16xf32> to vector<1xf32>
    %squeeze3A_75 = vector.extract %slice3A_74[0] : f32 from vector<1xf32>
    %broadcast_in_dim3A_76 = vector.broadcast %squeeze3A_75 : f32 to vector<16xf32>
    %slice3A_77 = vector.extract_strided_slice %scan3A_17#3 {offsets = [4], sizes = [1], strides = [1]} : vector<16xf32> to vector<1xf32>
    %squeeze3A_78 = vector.extract %slice3A_77[0] : f32 from vector<1xf32>
    %broadcast_in_dim3A_79 = vector.broadcast %squeeze3A_78 : f32 to vector<16xf32>
    %slice3A_80 = vector.extract_strided_slice %scan3A_17#3 {offsets = [5], sizes = [1], strides = [1]} : vector<16xf32> to vector<1xf32>
    %squeeze3A_81 = vector.extract %slice3A_80[0] : f32 from vector<1xf32>
    %broadcast_in_dim3A_82 = vector.broadcast %squeeze3A_81 : f32 to vector<16xf32>
    %slice3A_83 = vector.extract_strided_slice %scan3A_17#3 {offsets = [6], sizes = [1], strides = [1]} : vector<16xf32> to vector<1xf32>
    %squeeze3A_84 = vector.extract %slice3A_83[0] : f32 from vector<1xf32>
    %broadcast_in_dim3A_85 = vector.broadcast %squeeze3A_84 : f32 to vector<16xf32>
    %slice3A_86 = vector.extract_strided_slice %scan3A_17#3 {offsets = [7], sizes = [1], strides = [1]} : vector<16xf32> to vector<1xf32>
    %squeeze3A_87 = vector.extract %slice3A_86[0] : f32 from vector<1xf32>
    %broadcast_in_dim3A_88 = vector.broadcast %squeeze3A_87 : f32 to vector<16xf32>
    %slice3A_89 = vector.extract_strided_slice %scan3A_17#3 {offsets = [8], sizes = [1], strides = [1]} : vector<16xf32> to vector<1xf32>
    %squeeze3A_90 = vector.extract %slice3A_89[0] : f32 from vector<1xf32>
    %broadcast_in_dim3A_91 = vector.broadcast %squeeze3A_90 : f32 to vector<16xf32>
    %slice3A_92 = vector.extract_strided_slice %scan3A_17#3 {offsets = [9], sizes = [1], strides = [1]} : vector<16xf32> to vector<1xf32>
    %squeeze3A_93 = vector.extract %slice3A_92[0] : f32 from vector<1xf32>
    %broadcast_in_dim3A_94 = vector.broadcast %squeeze3A_93 : f32 to vector<16xf32>
    %slice3A_95 = vector.extract_strided_slice %scan3A_17#3 {offsets = [10], sizes = [1], strides = [1]} : vector<16xf32> to vector<1xf32>
    %squeeze3A_96 = vector.extract %slice3A_95[0] : f32 from vector<1xf32>
    %broadcast_in_dim3A_97 = vector.broadcast %squeeze3A_96 : f32 to vector<16xf32>
    %slice3A_98 = vector.extract_strided_slice %scan3A_17#3 {offsets = [11], sizes = [1], strides = [1]} : vector<16xf32> to vector<1xf32>
    %squeeze3A_99 = vector.extract %slice3A_98[0] : f32 from vector<1xf32>
    %broadcast_in_dim3A_100 = vector.broadcast %squeeze3A_99 : f32 to vector<16xf32>
    %slice3A_101 = vector.extract_strided_slice %scan3A_17#3 {offsets = [12], sizes = [1], strides = [1]} : vector<16xf32> to vector<1xf32>
    %squeeze3A_102 = vector.extract %slice3A_101[0] : f32 from vector<1xf32>
    %broadcast_in_dim3A_103 = vector.broadcast %squeeze3A_102 : f32 to vector<16xf32>
    %slice3A_104 = vector.extract_strided_slice %scan3A_17#3 {offsets = [13], sizes = [1], strides = [1]} : vector<16xf32> to vector<1xf32>
    %squeeze3A_105 = vector.extract %slice3A_104[0] : f32 from vector<1xf32>
    %broadcast_in_dim3A_106 = vector.broadcast %squeeze3A_105 : f32 to vector<16xf32>
    %slice3A_107 = vector.extract_strided_slice %scan3A_17#3 {offsets = [14], sizes = [1], strides = [1]} : vector<16xf32> to vector<1xf32>
    %squeeze3A_108 = vector.extract %slice3A_107[0] : f32 from vector<1xf32>
    %broadcast_in_dim3A_109 = vector.broadcast %squeeze3A_108 : f32 to vector<16xf32>
    %slice3A_110 = vector.extract_strided_slice %scan3A_17#3 {offsets = [15], sizes = [1], strides = [1]} : vector<16xf32> to vector<1xf32>
    %squeeze3A_111 = vector.extract %slice3A_110[0] : f32 from vector<1xf32>
    %broadcast_in_dim3A_112 = vector.broadcast %squeeze3A_111 : f32 to vector<16xf32>
    %dma_wait3A_113 = arith.constant 0 : i32
    %dma_wait3A_114 = arith.constant 0 : i32
    %dma_wait3A_115 = tpu.memref_slice %arg4[%dma_wait3A_113, %dma_wait3A_114] : memref<32768x1024xf32, #tpu.memory_space<hbm>> -> memref<32x1024xf32, #tpu.memory_space<hbm>>
    %dma_wait3A_116 = arith.constant 0 : i32
    %dma_wait3A_117 = arith.constant 0 : i32
    %dma_wait3A_118 = tpu.memref_slice %arg4[%dma_wait3A_116, %dma_wait3A_117] : memref<32768x1024xf32, #tpu.memory_space<hbm>> -> memref<32x1024xf32, #tpu.memory_space<hbm>>
    tpu.wait_dma2 semaphore(%arg12 : memref<!tpu.dma_semaphore, #tpu.memory_space<semaphore_mem>>) src(%dma_wait3A_118 : memref<32x1024xf32, #tpu.memory_space<hbm>>) dst(%arg9 : memref<32x1024xf32, #tpu.memory_space<vmem>>)
    %scan3A_119 = arith.constant 0 : i32
    %scan3A_120 = arith.constant 0 : i32
    %scan3A_121 = arith.constant 64 : i32
    %scan3A_122 = arith.addi %scan3A_120, %scan3A_121 : i32
    %scan3A_123 = arith.constant 1 : i32
    scf.for %scan3A_125 = %scan3A_120 to %scan3A_122 step %scan3A_123  : i32 {
      %mul3A_126 = arith.constant 16 : i32
      %mul3A_127 = arith.muli %scan3A_125, %mul3A_126 : i32
      %get3A = arith.index_cast %mul3A_127 : i32 to index
      %get3A_128 = tpu.vector_load %arg10[%get3A] {strides = array<i32>} : memref<1024xf32, #tpu.memory_space<vmem>>, vector<16xf32>,
      %get3A_129 = vector.shape_cast %get3A_128 : vector<16xf32> to vector<16xf32>
      %get3A_130 = arith.constant 0 : i32
      %get3A_131 = arith.index_cast %get3A_130 : i32 to index
      %get3A_132 = arith.index_cast %mul3A_127 : i32 to index
      %get3A_133 = tpu.vector_load %arg9[%get3A_131, %get3A_132] {strides = array<i32>} : memref<32x1024xf32, #tpu.memory_space<vmem>>, vector<1x16xf32>,
      %get3A_134 = vector.shape_cast %get3A_133 : vector<1x16xf32> to vector<16xf32>
      %mul3A_135 = arith.mulf %broadcast_in_dim3A_19, %get3A_134 : vector<16xf32>
      %add3A_136 = arith.addf %get3A_129, %mul3A_135 : vector<16xf32>
      %get3A_137 = arith.constant 1 : i32
      %get3A_138 = arith.index_cast %get3A_137 : i32 to index
      %get3A_139 = arith.index_cast %mul3A_127 : i32 to index
      %get3A_140 = tpu.vector_load %arg9[%get3A_138, %get3A_139] {strides = array<i32>} : memref<32x1024xf32, #tpu.memory_space<vmem>>, vector<1x16xf32>,
      %get3A_141 = vector.shape_cast %get3A_140 : vector<1x16xf32> to vector<16xf32>
      %mul3A_142 = arith.mulf %broadcast_in_dim3A_22, %get3A_141 : vector<16xf32>
      %get3A_143 = arith.constant 2 : i32
      %get3A_144 = arith.index_cast %get3A_143 : i32 to index
      %get3A_145 = arith.index_cast %mul3A_127 : i32 to index
      %get3A_146 = tpu.vector_load %arg9[%get3A_144, %get3A_145] {strides = array<i32>} : memref<32x1024xf32, #tpu.memory_space<vmem>>, vector<1x16xf32>,
      %get3A_147 = vector.shape_cast %get3A_146 : vector<1x16xf32> to vector<16xf32>
      %mul3A_148 = arith.mulf %broadcast_in_dim3A_25, %get3A_147 : vector<16xf32>
      %get3A_149 = arith.constant 3 : i32
      %get3A_150 = arith.index_cast %get3A_149 : i32 to index
      %get3A_151 = arith.index_cast %mul3A_127 : i32 to index
      %get3A_152 = tpu.vector_load %arg9[%get3A_150, %get3A_151] {strides = array<i32>} : memref<32x1024xf32, #tpu.memory_space<vmem>>, vector<1x16xf32>,
      %get3A_153 = vector.shape_cast %get3A_152 : vector<1x16xf32> to vector<16xf32>
      %mul3A_154 = arith.mulf %broadcast_in_dim3A_28, %get3A_153 : vector<16xf32>
      %get3A_155 = arith.constant 4 : i32
      %get3A_156 = arith.index_cast %get3A_155 : i32 to index
      %get3A_157 = arith.index_cast %mul3A_127 : i32 to index
      %get3A_158 = tpu.vector_load %arg9[%get3A_156, %get3A_157] {strides = array<i32>} : memref<32x1024xf32, #tpu.memory_space<vmem>>, vector<1x16xf32>,
      %get3A_159 = vector.shape_cast %get3A_158 : vector<1x16xf32> to vector<16xf32>
      %mul3A_160 = arith.mulf %broadcast_in_dim3A_31, %get3A_159 : vector<16xf32>
      %add3A_161 = arith.addf %add3A_136, %mul3A_160 : vector<16xf32>
      %get3A_162 = arith.constant 5 : i32
      %get3A_163 = arith.index_cast %get3A_162 : i32 to index
      %get3A_164 = arith.index_cast %mul3A_127 : i32 to index
      %get3A_165 = tpu.vector_load %arg9[%get3A_163, %get3A_164] {strides = array<i32>} : memref<32x1024xf32, #tpu.memory_space<vmem>>, vector<1x16xf32>,
      %get3A_166 = vector.shape_cast %get3A_165 : vector<1x16xf32> to vector<16xf32>
      %mul3A_167 = arith.mulf %broadcast_in_dim3A_34, %get3A_166 : vector<16xf32>
      %add3A_168 = arith.addf %mul3A_142, %mul3A_167 : vector<16xf32>
      %get3A_169 = arith.constant 6 : i32
      %get3A_170 = arith.index_cast %get3A_169 : i32 to index
      %get3A_171 = arith.index_cast %mul3A_127 : i32 to index
      %get3A_172 = tpu.vector_load %arg9[%get3A_170, %get3A_171] {strides = array<i32>} : memref<32x1024xf32, #tpu.memory_space<vmem>>, vector<1x16xf32>,
      %get3A_173 = vector.shape_cast %get3A_172 : vector<1x16xf32> to vector<16xf32>
      %mul3A_174 = arith.mulf %broadcast_in_dim3A_37, %get3A_173 : vector<16xf32>
      %add3A_175 = arith.addf %mul3A_148, %mul3A_174 : vector<16xf32>
      %get3A_176 = arith.constant 7 : i32
      %get3A_177 = arith.index_cast %get3A_176 : i32 to index
      %get3A_178 = arith.index_cast %mul3A_127 : i32 to index
      %get3A_179 = tpu.vector_load %arg9[%get3A_177, %get3A_178] {strides = array<i32>} : memref<32x1024xf32, #tpu.memory_space<vmem>>, vector<1x16xf32>,
      %get3A_180 = vector.shape_cast %get3A_179 : vector<1x16xf32> to vector<16xf32>
      %mul3A_181 = arith.mulf %broadcast_in_dim3A_40, %get3A_180 : vector<16xf32>
      %add3A_182 = arith.addf %mul3A_154, %mul3A_181 : vector<16xf32>
      %get3A_183 = arith.constant 8 : i32
      %get3A_184 = arith.index_cast %get3A_183 : i32 to index
      %get3A_185 = arith.index_cast %mul3A_127 : i32 to index
      %get3A_186 = tpu.vector_load %arg9[%get3A_184, %get3A_185] {strides = array<i32>} : memref<32x1024xf32, #tpu.memory_space<vmem>>, vector<1x16xf32>,
      %get3A_187 = vector.shape_cast %get3A_186 : vector<1x16xf32> to vector<16xf32>
      %mul3A_188 = arith.mulf %broadcast_in_dim3A_43, %get3A_187 : vector<16xf32>
      %add3A_189 = arith.addf %add3A_161, %mul3A_188 : vector<16xf32>
      %get3A_190 = arith.constant 9 : i32
      %get3A_191 = arith.index_cast %get3A_190 : i32 to index
      %get3A_192 = arith.index_cast %mul3A_127 : i32 to index
      %get3A_193 = tpu.vector_load %arg9[%get3A_191, %get3A_192] {strides = array<i32>} : memref<32x1024xf32, #tpu.memory_space<vmem>>, vector<1x16xf32>,
      %get3A_194 = vector.shape_cast %get3A_193 : vector<1x16xf32> to vector<16xf32>
      %mul3A_195 = arith.mulf %broadcast_in_dim3A_46, %get3A_194 : vector<16xf32>
      %add3A_196 = arith.addf %add3A_168, %mul3A_195 : vector<16xf32>
      %get3A_197 = arith.constant 10 : i32
      %get3A_198 = arith.index_cast %get3A_197 : i32 to index
      %get3A_199 = arith.index_cast %mul3A_127 : i32 to index
      %get3A_200 = tpu.vector_load %arg9[%get3A_198, %get3A_199] {strides = array<i32>} : memref<32x1024xf32, #tpu.memory_space<vmem>>, vector<1x16xf32>,
      %get3A_201 = vector.shape_cast %get3A_200 : vector<1x16xf32> to vector<16xf32>
      %mul3A_202 = arith.mulf %broadcast_in_dim3A_49, %get3A_201 : vector<16xf32>
      %add3A_203 = arith.addf %add3A_175, %mul3A_202 : vector<16xf32>
      %get3A_204 = arith.constant 11 : i32
      %get3A_205 = arith.index_cast %get3A_204 : i32 to index
      %get3A_206 = arith.index_cast %mul3A_127 : i32 to index
      %get3A_207 = tpu.vector_load %arg9[%get3A_205, %get3A_206] {strides = array<i32>} : memref<32x1024xf32, #tpu.memory_space<vmem>>, vector<1x16xf32>,
      %get3A_208 = vector.shape_cast %get3A_207 : vector<1x16xf32> to vector<16xf32>
      %mul3A_209 = arith.mulf %broadcast_in_dim3A_52, %get3A_208 : vector<16xf32>
      %add3A_210 = arith.addf %add3A_182, %mul3A_209 : vector<16xf32>
      %get3A_211 = arith.constant 12 : i32
      %get3A_212 = arith.index_cast %get3A_211 : i32 to index
      %get3A_213 = arith.index_cast %mul3A_127 : i32 to index
      %get3A_214 = tpu.vector_load %arg9[%get3A_212, %get3A_213] {strides = array<i32>} : memref<32x1024xf32, #tpu.memory_space<vmem>>, vector<1x16xf32>,
      %get3A_215 = vector.shape_cast %get3A_214 : vector<1x16xf32> to vector<16xf32>
      %mul3A_216 = arith.mulf %broadcast_in_dim3A_55, %get3A_215 : vector<16xf32>
      %add3A_217 = arith.addf %add3A_189, %mul3A_216 : vector<16xf32>
      %get3A_218 = arith.constant 13 : i32
      %get3A_219 = arith.index_cast %get3A_218 : i32 to index
      %get3A_220 = arith.index_cast %mul3A_127 : i32 to index
      %get3A_221 = tpu.vector_load %arg9[%get3A_219, %get3A_220] {strides = array<i32>} : memref<32x1024xf32, #tpu.memory_space<vmem>>, vector<1x16xf32>,
      %get3A_222 = vector.shape_cast %get3A_221 : vector<1x16xf32> to vector<16xf32>
      %mul3A_223 = arith.mulf %broadcast_in_dim3A_58, %get3A_222 : vector<16xf32>
      %add3A_224 = arith.addf %add3A_196, %mul3A_223 : vector<16xf32>
      %get3A_225 = arith.constant 14 : i32
      %get3A_226 = arith.index_cast %get3A_225 : i32 to index
      %get3A_227 = arith.index_cast %mul3A_127 : i32 to index
      %get3A_228 = tpu.vector_load %arg9[%get3A_226, %get3A_227] {strides = array<i32>} : memref<32x1024xf32, #tpu.memory_space<vmem>>, vector<1x16xf32>,
      %get3A_229 = vector.shape_cast %get3A_228 : vector<1x16xf32> to vector<16xf32>
      %mul3A_230 = arith.mulf %broadcast_in_dim3A_61, %get3A_229 : vector<16xf32>
      %add3A_231 = arith.addf %add3A_203, %mul3A_230 : vector<16xf32>
      %get3A_232 = arith.constant 15 : i32
      %get3A_233 = arith.index_cast %get3A_232 : i32 to index
      %get3A_234 = arith.index_cast %mul3A_127 : i32 to index
      %get3A_235 = tpu.vector_load %arg9[%get3A_233, %get3A_234] {strides = array<i32>} : memref<32x1024xf32, #tpu.memory_space<vmem>>, vector<1x16xf32>,
      %get3A_236 = vector.shape_cast %get3A_235 : vector<1x16xf32> to vector<16xf32>
      %mul3A_237 = arith.mulf %broadcast_in_dim3A_64, %get3A_236 : vector<16xf32>
      %add3A_238 = arith.addf %add3A_210, %mul3A_237 : vector<16xf32>
      %get3A_239 = arith.constant 16 : i32
      %get3A_240 = arith.index_cast %get3A_239 : i32 to index
      %get3A_241 = arith.index_cast %mul3A_127 : i32 to index
      %get3A_242 = tpu.vector_load %arg9[%get3A_240, %get3A_241] {strides = array<i32>} : memref<32x1024xf32, #tpu.memory_space<vmem>>, vector<1x16xf32>,
      %get3A_243 = vector.shape_cast %get3A_242 : vector<1x16xf32> to vector<16xf32>
      %mul3A_244 = arith.mulf %broadcast_in_dim3A_67, %get3A_243 : vector<16xf32>
      %add3A_245 = arith.addf %add3A_217, %mul3A_244 : vector<16xf32>
      %get3A_246 = arith.constant 17 : i32
      %get3A_247 = arith.index_cast %get3A_246 : i32 to index
      %get3A_248 = arith.index_cast %mul3A_127 : i32 to index
      %get3A_249 = tpu.vector_load %arg9[%get3A_247, %get3A_248] {strides = array<i32>} : memref<32x1024xf32, #tpu.memory_space<vmem>>, vector<1x16xf32>,
      %get3A_250 = vector.shape_cast %get3A_249 : vector<1x16xf32> to vector<16xf32>
      %mul3A_251 = arith.mulf %broadcast_in_dim3A_70, %get3A_250 : vector<16xf32>
      %add3A_252 = arith.addf %add3A_224, %mul3A_251 : vector<16xf32>
      %get3A_253 = arith.constant 18 : i32
      %get3A_254 = arith.index_cast %get3A_253 : i32 to index
      %get3A_255 = arith.index_cast %mul3A_127 : i32 to index
      %get3A_256 = tpu.vector_load %arg9[%get3A_254, %get3A_255] {strides = array<i32>} : memref<32x1024xf32, #tpu.memory_space<vmem>>, vector<1x16xf32>,
      %get3A_257 = vector.shape_cast %get3A_256 : vector<1x16xf32> to vector<16xf32>
      %mul3A_258 = arith.mulf %broadcast_in_dim3A_73, %get3A_257 : vector<16xf32>
      %add3A_259 = arith.addf %add3A_231, %mul3A_258 : vector<16xf32>
      %get3A_260 = arith.constant 19 : i32
      %get3A_261 = arith.index_cast %get3A_260 : i32 to index
      %get3A_262 = arith.index_cast %mul3A_127 : i32 to index
      %get3A_263 = tpu.vector_load %arg9[%get3A_261, %get3A_262] {strides = array<i32>} : memref<32x1024xf32, #tpu.memory_space<vmem>>, vector<1x16xf32>,
      %get3A_264 = vector.shape_cast %get3A_263 : vector<1x16xf32> to vector<16xf32>
      %mul3A_265 = arith.mulf %broadcast_in_dim3A_76, %get3A_264 : vector<16xf32>
      %add3A_266 = arith.addf %add3A_238, %mul3A_265 : vector<16xf32>
      %get3A_267 = arith.constant 20 : i32
      %get3A_268 = arith.index_cast %get3A_267 : i32 to index
      %get3A_269 = arith.index_cast %mul3A_127 : i32 to index
      %get3A_270 = tpu.vector_load %arg9[%get3A_268, %get3A_269] {strides = array<i32>} : memref<32x1024xf32, #tpu.memory_space<vmem>>, vector<1x16xf32>,
      %get3A_271 = vector.shape_cast %get3A_270 : vector<1x16xf32> to vector<16xf32>
      %mul3A_272 = arith.mulf %broadcast_in_dim3A_79, %get3A_271 : vector<16xf32>
      %add3A_273 = arith.addf %add3A_245, %mul3A_272 : vector<16xf32>
      %get3A_274 = arith.constant 21 : i32
      %get3A_275 = arith.index_cast %get3A_274 : i32 to index
      %get3A_276 = arith.index_cast %mul3A_127 : i32 to index
      %get3A_277 = tpu.vector_load %arg9[%get3A_275, %get3A_276] {strides = array<i32>} : memref<32x1024xf32, #tpu.memory_space<vmem>>, vector<1x16xf32>,
      %get3A_278 = vector.shape_cast %get3A_277 : vector<1x16xf32> to vector<16xf32>
      %mul3A_279 = arith.mulf %broadcast_in_dim3A_82, %get3A_278 : vector<16xf32>
      %add3A_280 = arith.addf %add3A_252, %mul3A_279 : vector<16xf32>
      %get3A_281 = arith.constant 22 : i32
      %get3A_282 = arith.index_cast %get3A_281 : i32 to index
      %get3A_283 = arith.index_cast %mul3A_127 : i32 to index
      %get3A_284 = tpu.vector_load %arg9[%get3A_282, %get3A_283] {strides = array<i32>} : memref<32x1024xf32, #tpu.memory_space<vmem>>, vector<1x16xf32>,
      %get3A_285 = vector.shape_cast %get3A_284 : vector<1x16xf32> to vector<16xf32>
      %mul3A_286 = arith.mulf %broadcast_in_dim3A_85, %get3A_285 : vector<16xf32>
      %add3A_287 = arith.addf %add3A_259, %mul3A_286 : vector<16xf32>
      %get3A_288 = arith.constant 23 : i32
      %get3A_289 = arith.index_cast %get3A_288 : i32 to index
      %get3A_290 = arith.index_cast %mul3A_127 : i32 to index
      %get3A_291 = tpu.vector_load %arg9[%get3A_289, %get3A_290] {strides = array<i32>} : memref<32x1024xf32, #tpu.memory_space<vmem>>, vector<1x16xf32>,
      %get3A_292 = vector.shape_cast %get3A_291 : vector<1x16xf32> to vector<16xf32>
      %mul3A_293 = arith.mulf %broadcast_in_dim3A_88, %get3A_292 : vector<16xf32>
      %add3A_294 = arith.addf %add3A_266, %mul3A_293 : vector<16xf32>
      %get3A_295 = arith.constant 24 : i32
      %get3A_296 = arith.index_cast %get3A_295 : i32 to index
      %get3A_297 = arith.index_cast %mul3A_127 : i32 to index
      %get3A_298 = tpu.vector_load %arg9[%get3A_296, %get3A_297] {strides = array<i32>} : memref<32x1024xf32, #tpu.memory_space<vmem>>, vector<1x16xf32>,
      %get3A_299 = vector.shape_cast %get3A_298 : vector<1x16xf32> to vector<16xf32>
      %mul3A_300 = arith.mulf %broadcast_in_dim3A_91, %get3A_299 : vector<16xf32>
      %add3A_301 = arith.addf %add3A_273, %mul3A_300 : vector<16xf32>
      %get3A_302 = arith.constant 25 : i32
      %get3A_303 = arith.index_cast %get3A_302 : i32 to index
      %get3A_304 = arith.index_cast %mul3A_127 : i32 to index
      %get3A_305 = tpu.vector_load %arg9[%get3A_303, %get3A_304] {strides = array<i32>} : memref<32x1024xf32, #tpu.memory_space<vmem>>, vector<1x16xf32>,
      %get3A_306 = vector.shape_cast %get3A_305 : vector<1x16xf32> to vector<16xf32>
      %mul3A_307 = arith.mulf %broadcast_in_dim3A_94, %get3A_306 : vector<16xf32>
      %add3A_308 = arith.addf %add3A_280, %mul3A_307 : vector<16xf32>
      %get3A_309 = arith.constant 26 : i32
      %get3A_310 = arith.index_cast %get3A_309 : i32 to index
      %get3A_311 = arith.index_cast %mul3A_127 : i32 to index
      %get3A_312 = tpu.vector_load %arg9[%get3A_310, %get3A_311] {strides = array<i32>} : memref<32x1024xf32, #tpu.memory_space<vmem>>, vector<1x16xf32>,
      %get3A_313 = vector.shape_cast %get3A_312 : vector<1x16xf32> to vector<16xf32>
      %mul3A_314 = arith.mulf %broadcast_in_dim3A_97, %get3A_313 : vector<16xf32>
      %add3A_315 = arith.addf %add3A_287, %mul3A_314 : vector<16xf32>
      %get3A_316 = arith.constant 27 : i32
      %get3A_317 = arith.index_cast %get3A_316 : i32 to index
      %get3A_318 = arith.index_cast %mul3A_127 : i32 to index
      %get3A_319 = tpu.vector_load %arg9[%get3A_317, %get3A_318] {strides = array<i32>} : memref<32x1024xf32, #tpu.memory_space<vmem>>, vector<1x16xf32>,
      %get3A_320 = vector.shape_cast %get3A_319 : vector<1x16xf32> to vector<16xf32>
      %mul3A_321 = arith.mulf %broadcast_in_dim3A_100, %get3A_320 : vector<16xf32>
      %add3A_322 = arith.addf %add3A_294, %mul3A_321 : vector<16xf32>
      %get3A_323 = arith.constant 28 : i32
      %get3A_324 = arith.index_cast %get3A_323 : i32 to index
      %get3A_325 = arith.index_cast %mul3A_127 : i32 to index
      %get3A_326 = tpu.vector_load %arg9[%get3A_324, %get3A_325] {strides = array<i32>} : memref<32x1024xf32, #tpu.memory_space<vmem>>, vector<1x16xf32>,
      %get3A_327 = vector.shape_cast %get3A_326 : vector<1x16xf32> to vector<16xf32>
      %mul3A_328 = arith.mulf %broadcast_in_dim3A_103, %get3A_327 : vector<16xf32>
      %add3A_329 = arith.addf %add3A_301, %mul3A_328 : vector<16xf32>
      %get3A_330 = arith.constant 29 : i32
      %get3A_331 = arith.index_cast %get3A_330 : i32 to index
      %get3A_332 = arith.index_cast %mul3A_127 : i32 to index
      %get3A_333 = tpu.vector_load %arg9[%get3A_331, %get3A_332] {strides = array<i32>} : memref<32x1024xf32, #tpu.memory_space<vmem>>, vector<1x16xf32>,
      %get3A_334 = vector.shape_cast %get3A_333 : vector<1x16xf32> to vector<16xf32>
      %mul3A_335 = arith.mulf %broadcast_in_dim3A_106, %get3A_334 : vector<16xf32>
      %add3A_336 = arith.addf %add3A_308, %mul3A_335 : vector<16xf32>
      %get3A_337 = arith.constant 30 : i32
      %get3A_338 = arith.index_cast %get3A_337 : i32 to index
      %get3A_339 = arith.index_cast %mul3A_127 : i32 to index
      %get3A_340 = tpu.vector_load %arg9[%get3A_338, %get3A_339] {strides = array<i32>} : memref<32x1024xf32, #tpu.memory_space<vmem>>, vector<1x16xf32>,
      %get3A_341 = vector.shape_cast %get3A_340 : vector<1x16xf32> to vector<16xf32>
      %mul3A_342 = arith.mulf %broadcast_in_dim3A_109, %get3A_341 : vector<16xf32>
      %add3A_343 = arith.addf %add3A_315, %mul3A_342 : vector<16xf32>
      %get3A_344 = arith.constant 31 : i32
      %get3A_345 = arith.index_cast %get3A_344 : i32 to index
      %get3A_346 = arith.index_cast %mul3A_127 : i32 to index
      %get3A_347 = tpu.vector_load %arg9[%get3A_345, %get3A_346] {strides = array<i32>} : memref<32x1024xf32, #tpu.memory_space<vmem>>, vector<1x16xf32>,
      %get3A_348 = vector.shape_cast %get3A_347 : vector<1x16xf32> to vector<16xf32>
      %mul3A_349 = arith.mulf %broadcast_in_dim3A_112, %get3A_348 : vector<16xf32>
      %add3A_350 = arith.addf %add3A_322, %mul3A_349 : vector<16xf32>
      %add3A_351 = arith.addf %add3A_329, %add3A_336 : vector<16xf32>
      %add3A_352 = arith.addf %add3A_343, %add3A_350 : vector<16xf32>
      %add3A_353 = arith.addf %add3A_351, %add3A_352 : vector<16xf32>
      %swap3A = arith.index_cast %mul3A_127 : i32 to index
      %swap3A_354 = tpu.vector_load %arg10[%swap3A] {strides = array<i32>} : memref<1024xf32, #tpu.memory_space<vmem>>, vector<16xf32>,
      %swap3A_355 = vector.shape_cast %swap3A_354 : vector<16xf32> to vector<16xf32>
      %swap3A_356 = vector.shape_cast %add3A_353 : vector<16xf32> to vector<16xf32>
      tpu.vector_store %arg10[%swap3A], %swap3A_356 {strides = array<i32>} : memref<1024xf32, #tpu.memory_space<vmem>>, vector<16xf32>,
    }
    %scan3A_124 = arith.constant 64 : i32
    "tpu.region"() ({
      %run_scoped3A = tpu.sem_alloc : memref<!tpu.dma_semaphore, #tpu.memory_space<semaphore_mem>>
      %dma_start3A_125 = arith.constant 0 : i32
      %dma_start3A_126 = tpu.memref_slice %arg6[%add3A, %dma_start3A_125] : memref<32x1024xf32, #tpu.memory_space<hbm>> -> memref<1x1024xf32, #tpu.memory_space<hbm>>
      %dma_start3A_127 = tpu.memref_squeeze %dma_start3A_126 : memref<1x1024xf32, #tpu.memory_space<hbm>> -> memref<1024xf32, #tpu.memory_space<hbm>>
      %dma_start3A_128 = arith.constant 0 : i32
      %dma_start3A_129 = tpu.memref_slice %arg6[%add3A, %dma_start3A_128] : memref<32x1024xf32, #tpu.memory_space<hbm>> -> memref<1x1024xf32, #tpu.memory_space<hbm>>
      %dma_start3A_130 = tpu.memref_squeeze %dma_start3A_129 : memref<1x1024xf32, #tpu.memory_space<hbm>> -> memref<1024xf32, #tpu.memory_space<hbm>>
      tpu.enqueue_dma source(%arg10 : memref<1024xf32, #tpu.memory_space<vmem>>) target(%dma_start3A_130 : memref<1024xf32, #tpu.memory_space<hbm>>) target_semaphore(%run_scoped3A : memref<!tpu.dma_semaphore, #tpu.memory_space<semaphore_mem>>)
      %dma_wait3A_131 = arith.constant 0 : i32
      %dma_wait3A_132 = tpu.memref_slice %arg6[%add3A, %dma_wait3A_131] : memref<32x1024xf32, #tpu.memory_space<hbm>> -> memref<1x1024xf32, #tpu.memory_space<hbm>>
      %dma_wait3A_133 = tpu.memref_squeeze %dma_wait3A_132 : memref<1x1024xf32, #tpu.memory_space<hbm>> -> memref<1024xf32, #tpu.memory_space<hbm>>
      %dma_wait3A_134 = arith.constant 0 : i32
      %dma_wait3A_135 = tpu.memref_slice %arg6[%add3A, %dma_wait3A_134] : memref<32x1024xf32, #tpu.memory_space<hbm>> -> memref<1x1024xf32, #tpu.memory_space<hbm>>
      %dma_wait3A_136 = tpu.memref_squeeze %dma_wait3A_135 : memref<1x1024xf32, #tpu.memory_space<hbm>> -> memref<1024xf32, #tpu.memory_space<hbm>>
      tpu.wait_dma2 semaphore(%run_scoped3A : memref<!tpu.dma_semaphore, #tpu.memory_space<semaphore_mem>>) src(%arg10 : memref<1024xf32, #tpu.memory_space<vmem>>) dst(%dma_wait3A_136 : memref<1024xf32, #tpu.memory_space<hbm>>)
      tpu.yield
    }) : () -> ()
    return
  }
}

module attributes {stable_mosaic.version = 14 : i64} {
  func.func @_enc_body(%arg0: i32, %arg1: memref<32x1024xf32, #tpu.memory_space<vmem>>, %arg2: memref<2048x1024xf32, #tpu.memory_space<vmem>>, %arg3: memref<1x2048xf32, #tpu.memory_space<vmem>>, %arg4: memref<32x2048xf32, #tpu.memory_space<vmem>>, %arg5: memref<1x32x16xf32, #tpu.memory_space<vmem>>) attributes {dimension_semantics = [#tpu.dimension_semantics<arbitrary>], iteration_bounds = array<i64: 16>, scalar_prefetch = 0 : i64, scratch_operands = 0 : i64, tpu.core_type = #tpu.core_type<tc>, window_params = [{pipeline_mode = #tpu.pipeline_mode<synchronous>, transform_indices = @transform_0, window_bounds = array<i64: 32, 1024>}, {transform_indices = @transform_1, window_bounds = array<i64: 2048, 1024>}, {transform_indices = @transform_2, window_bounds = array<i64: 1, 2048>}, {transform_indices = @transform_3, window_bounds = array<i64: 32, 2048>}, {transform_indices = @transform_4, window_bounds = array<i64: 1, 32, 16>}]} {
    %get3A = arith.constant 0 : index
    %get3A_0 = arith.constant 0 : index
    %get3A_1 = vector.load %arg1[%get3A, %get3A_0] : memref<32x1024xf32, #tpu.memory_space<vmem>>, vector<32x1024xf32>
    %get3A_2 = arith.constant 0 : index
    %get3A_3 = arith.constant 0 : index
    %get3A_4 = vector.load %arg2[%get3A_2, %get3A_3] : memref<2048x1024xf32, #tpu.memory_space<vmem>>, vector<2048x1024xf32>
    %dot_general3A = arith.constant dense<0.000000e+00> : vector<32x2048xf32>
    %dot_general3A_5 = tpu.matmul %get3A_1, %get3A_4, %dot_general3A {dimension_numbers = #tpu.dot_dimension_numbers<[1], [1], [0], [0], [0, 0, 1, 0], [], []>, transpose_lhs_hint = false} : vector<32x1024xf32>, vector<2048x1024xf32>, vector<32x2048xf32> -> vector<32x2048xf32>
    %get3A_6 = arith.constant 0 : index
    %get3A_7 = arith.constant 0 : index
    %get3A_8 = vector.load %arg3[%get3A_6, %get3A_7] : memref<1x2048xf32, #tpu.memory_space<vmem>>, vector<1x2048xf32>
    %add3A = vector.broadcast %get3A_8 : vector<1x2048xf32> to vector<32x2048xf32>
    %add3A_9 = arith.addf %dot_general3A_5, %add3A : vector<32x2048xf32>
    %swap3A = arith.constant 0 : index
    %swap3A_10 = arith.constant 0 : index
    %swap3A_11 = vector.load %arg4[%swap3A, %swap3A_10] : memref<32x2048xf32, #tpu.memory_space<vmem>>, vector<32x2048xf32>
    tpu.vector_store %arg4[%swap3A, %swap3A_10], %add3A_9 {strides = array<i32>} : memref<32x2048xf32, #tpu.memory_space<vmem>>, vector<32x2048xf32>,
    %slice3A = vector.extract_strided_slice %add3A_9 {offsets = [0, 0], sizes = [32, 128], strides = [1, 1]} : vector<32x2048xf32> to vector<32x128xf32>
    %reduce_max3A = arith.constant dense<0xFF800000> : vector<32xf32>
    %reduce_max3A_12 = vector.multi_reduction <maximumf>, %slice3A, %reduce_max3A [1] : vector<32x128xf32> to vector<32xf32>
    %broadcast_in_dim3A = vector.shape_cast %reduce_max3A_12 : vector<32xf32> to vector<32x1xf32>
    %slice3A_13 = vector.extract_strided_slice %add3A_9 {offsets = [0, 128], sizes = [32, 128], strides = [1, 1]} : vector<32x2048xf32> to vector<32x128xf32>
    %reduce_max3A_14 = arith.constant dense<0xFF800000> : vector<32xf32>
    %reduce_max3A_15 = vector.multi_reduction <maximumf>, %slice3A_13, %reduce_max3A_14 [1] : vector<32x128xf32> to vector<32xf32>
    %broadcast_in_dim3A_16 = vector.shape_cast %reduce_max3A_15 : vector<32xf32> to vector<32x1xf32>
    %slice3A_17 = vector.extract_strided_slice %add3A_9 {offsets = [0, 256], sizes = [32, 128], strides = [1, 1]} : vector<32x2048xf32> to vector<32x128xf32>
    %reduce_max3A_18 = arith.constant dense<0xFF800000> : vector<32xf32>
    %reduce_max3A_19 = vector.multi_reduction <maximumf>, %slice3A_17, %reduce_max3A_18 [1] : vector<32x128xf32> to vector<32xf32>
    %broadcast_in_dim3A_20 = vector.shape_cast %reduce_max3A_19 : vector<32xf32> to vector<32x1xf32>
    %slice3A_21 = vector.extract_strided_slice %add3A_9 {offsets = [0, 384], sizes = [32, 128], strides = [1, 1]} : vector<32x2048xf32> to vector<32x128xf32>
    %reduce_max3A_22 = arith.constant dense<0xFF800000> : vector<32xf32>
    %reduce_max3A_23 = vector.multi_reduction <maximumf>, %slice3A_21, %reduce_max3A_22 [1] : vector<32x128xf32> to vector<32xf32>
    %broadcast_in_dim3A_24 = vector.shape_cast %reduce_max3A_23 : vector<32xf32> to vector<32x1xf32>
    %slice3A_25 = vector.extract_strided_slice %add3A_9 {offsets = [0, 512], sizes = [32, 128], strides = [1, 1]} : vector<32x2048xf32> to vector<32x128xf32>
    %reduce_max3A_26 = arith.constant dense<0xFF800000> : vector<32xf32>
    %reduce_max3A_27 = vector.multi_reduction <maximumf>, %slice3A_25, %reduce_max3A_26 [1] : vector<32x128xf32> to vector<32xf32>
    %broadcast_in_dim3A_28 = vector.shape_cast %reduce_max3A_27 : vector<32xf32> to vector<32x1xf32>
    %slice3A_29 = vector.extract_strided_slice %add3A_9 {offsets = [0, 640], sizes = [32, 128], strides = [1, 1]} : vector<32x2048xf32> to vector<32x128xf32>
    %reduce_max3A_30 = arith.constant dense<0xFF800000> : vector<32xf32>
    %reduce_max3A_31 = vector.multi_reduction <maximumf>, %slice3A_29, %reduce_max3A_30 [1] : vector<32x128xf32> to vector<32xf32>
    %broadcast_in_dim3A_32 = vector.shape_cast %reduce_max3A_31 : vector<32xf32> to vector<32x1xf32>
    %slice3A_33 = vector.extract_strided_slice %add3A_9 {offsets = [0, 768], sizes = [32, 128], strides = [1, 1]} : vector<32x2048xf32> to vector<32x128xf32>
    %reduce_max3A_34 = arith.constant dense<0xFF800000> : vector<32xf32>
    %reduce_max3A_35 = vector.multi_reduction <maximumf>, %slice3A_33, %reduce_max3A_34 [1] : vector<32x128xf32> to vector<32xf32>
    %broadcast_in_dim3A_36 = vector.shape_cast %reduce_max3A_35 : vector<32xf32> to vector<32x1xf32>
    %slice3A_37 = vector.extract_strided_slice %add3A_9 {offsets = [0, 896], sizes = [32, 128], strides = [1, 1]} : vector<32x2048xf32> to vector<32x128xf32>
    %reduce_max3A_38 = arith.constant dense<0xFF800000> : vector<32xf32>
    %reduce_max3A_39 = vector.multi_reduction <maximumf>, %slice3A_37, %reduce_max3A_38 [1] : vector<32x128xf32> to vector<32xf32>
    %broadcast_in_dim3A_40 = vector.shape_cast %reduce_max3A_39 : vector<32xf32> to vector<32x1xf32>
    %slice3A_41 = vector.extract_strided_slice %add3A_9 {offsets = [0, 1024], sizes = [32, 128], strides = [1, 1]} : vector<32x2048xf32> to vector<32x128xf32>
    %reduce_max3A_42 = arith.constant dense<0xFF800000> : vector<32xf32>
    %reduce_max3A_43 = vector.multi_reduction <maximumf>, %slice3A_41, %reduce_max3A_42 [1] : vector<32x128xf32> to vector<32xf32>
    %broadcast_in_dim3A_44 = vector.shape_cast %reduce_max3A_43 : vector<32xf32> to vector<32x1xf32>
    %slice3A_45 = vector.extract_strided_slice %add3A_9 {offsets = [0, 1152], sizes = [32, 128], strides = [1, 1]} : vector<32x2048xf32> to vector<32x128xf32>
    %reduce_max3A_46 = arith.constant dense<0xFF800000> : vector<32xf32>
    %reduce_max3A_47 = vector.multi_reduction <maximumf>, %slice3A_45, %reduce_max3A_46 [1] : vector<32x128xf32> to vector<32xf32>
    %broadcast_in_dim3A_48 = vector.shape_cast %reduce_max3A_47 : vector<32xf32> to vector<32x1xf32>
    %slice3A_49 = vector.extract_strided_slice %add3A_9 {offsets = [0, 1280], sizes = [32, 128], strides = [1, 1]} : vector<32x2048xf32> to vector<32x128xf32>
    %reduce_max3A_50 = arith.constant dense<0xFF800000> : vector<32xf32>
    %reduce_max3A_51 = vector.multi_reduction <maximumf>, %slice3A_49, %reduce_max3A_50 [1] : vector<32x128xf32> to vector<32xf32>
    %broadcast_in_dim3A_52 = vector.shape_cast %reduce_max3A_51 : vector<32xf32> to vector<32x1xf32>
    %slice3A_53 = vector.extract_strided_slice %add3A_9 {offsets = [0, 1408], sizes = [32, 128], strides = [1, 1]} : vector<32x2048xf32> to vector<32x128xf32>
    %reduce_max3A_54 = arith.constant dense<0xFF800000> : vector<32xf32>
    %reduce_max3A_55 = vector.multi_reduction <maximumf>, %slice3A_53, %reduce_max3A_54 [1] : vector<32x128xf32> to vector<32xf32>
    %broadcast_in_dim3A_56 = vector.shape_cast %reduce_max3A_55 : vector<32xf32> to vector<32x1xf32>
    %slice3A_57 = vector.extract_strided_slice %add3A_9 {offsets = [0, 1536], sizes = [32, 128], strides = [1, 1]} : vector<32x2048xf32> to vector<32x128xf32>
    %reduce_max3A_58 = arith.constant dense<0xFF800000> : vector<32xf32>
    %reduce_max3A_59 = vector.multi_reduction <maximumf>, %slice3A_57, %reduce_max3A_58 [1] : vector<32x128xf32> to vector<32xf32>
    %broadcast_in_dim3A_60 = vector.shape_cast %reduce_max3A_59 : vector<32xf32> to vector<32x1xf32>
    %slice3A_61 = vector.extract_strided_slice %add3A_9 {offsets = [0, 1664], sizes = [32, 128], strides = [1, 1]} : vector<32x2048xf32> to vector<32x128xf32>
    %reduce_max3A_62 = arith.constant dense<0xFF800000> : vector<32xf32>
    %reduce_max3A_63 = vector.multi_reduction <maximumf>, %slice3A_61, %reduce_max3A_62 [1] : vector<32x128xf32> to vector<32xf32>
    %broadcast_in_dim3A_64 = vector.shape_cast %reduce_max3A_63 : vector<32xf32> to vector<32x1xf32>
    %slice3A_65 = vector.extract_strided_slice %add3A_9 {offsets = [0, 1792], sizes = [32, 128], strides = [1, 1]} : vector<32x2048xf32> to vector<32x128xf32>
    %reduce_max3A_66 = arith.constant dense<0xFF800000> : vector<32xf32>
    %reduce_max3A_67 = vector.multi_reduction <maximumf>, %slice3A_65, %reduce_max3A_66 [1] : vector<32x128xf32> to vector<32xf32>
    %broadcast_in_dim3A_68 = vector.shape_cast %reduce_max3A_67 : vector<32xf32> to vector<32x1xf32>
    %slice3A_69 = vector.extract_strided_slice %add3A_9 {offsets = [0, 1920], sizes = [32, 128], strides = [1, 1]} : vector<32x2048xf32> to vector<32x128xf32>
    %reduce_max3A_70 = arith.constant dense<0xFF800000> : vector<32xf32>
    %reduce_max3A_71 = vector.multi_reduction <maximumf>, %slice3A_69, %reduce_max3A_70 [1] : vector<32x128xf32> to vector<32xf32>
    %broadcast_in_dim3A_72 = vector.shape_cast %reduce_max3A_71 : vector<32xf32> to vector<32x1xf32>
    %concatenate3A = tpu.concatenate %broadcast_in_dim3A, %broadcast_in_dim3A_16, %broadcast_in_dim3A_20, %broadcast_in_dim3A_24, %broadcast_in_dim3A_28, %broadcast_in_dim3A_32, %broadcast_in_dim3A_36, %broadcast_in_dim3A_40, %broadcast_in_dim3A_44, %broadcast_in_dim3A_48, %broadcast_in_dim3A_52, %broadcast_in_dim3A_56, %broadcast_in_dim3A_60, %broadcast_in_dim3A_64, %broadcast_in_dim3A_68, %broadcast_in_dim3A_72 in 1 : vector<32x1xf32>, vector<32x1xf32>, vector<32x1xf32>, vector<32x1xf32>, vector<32x1xf32>, vector<32x1xf32>, vector<32x1xf32>, vector<32x1xf32>, vector<32x1xf32>, vector<32x1xf32>, vector<32x1xf32>, vector<32x1xf32>, vector<32x1xf32>, vector<32x1xf32>, vector<32x1xf32>, vector<32x1xf32> -> vector<32x16xf32>
    %swap3A_73 = arith.constant 0 : index
    %swap3A_74 = arith.constant 0 : index
    %swap3A_75 = arith.constant 0 : index
    %swap3A_76 = vector.load %arg5[%swap3A_73, %swap3A_74, %swap3A_75] : memref<1x32x16xf32, #tpu.memory_space<vmem>>, vector<1x32x16xf32>
    %swap3A_77 = vector.shape_cast %swap3A_76 : vector<1x32x16xf32> to vector<32x16xf32>
    %swap3A_78 = vector.shape_cast %concatenate3A : vector<32x16xf32> to vector<1x32x16xf32>
    tpu.vector_store %arg5[%swap3A_73, %swap3A_74, %swap3A_75], %swap3A_78 {strides = array<i32>} : memref<1x32x16xf32, #tpu.memory_space<vmem>>, vector<1x32x16xf32>,
    return
  }
  func.func @transform_0(%arg0: i32) -> (i32, i32) {
    %c0_i32 = arith.constant 0 : i32
    %c0_i32_0 = arith.constant 0 : i32
    %c0_i32_1 = arith.constant 0 : i32
    return %c0_i32, %c0_i32_0 : i32, i32
  }
  func.func @transform_1(%arg0: i32) -> (i32, i32) {
    %c0_i32 = arith.constant 0 : i32
    %c0_i32_0 = arith.constant 0 : i32
    return %arg0, %c0_i32 : i32, i32
  }
  func.func @transform_2(%arg0: i32) -> (i32, i32) {
    %c0_i32 = arith.constant 0 : i32
    %c0_i32_0 = arith.constant 0 : i32
    return %c0_i32, %arg0 : i32, i32
  }
  func.func @transform_3(%arg0: i32) -> (i32, i32) {
    %c0_i32 = arith.constant 0 : i32
    %c0_i32_0 = arith.constant 0 : i32
    return %c0_i32, %arg0 : i32, i32
  }
  func.func @transform_4(%arg0: i32) -> (i32, i32, i32) {
    %c0_i32 = arith.constant 0 : i32
    %c0_i32_0 = arith.constant 0 : i32
    %c0_i32_1 = arith.constant 0 : i32
    return %arg0, %c0_i32, %c0_i32_0 : i32, i32, i32
  }
}

</mosaic_0001>

<sc_bundles>
// kernel: kernel.4.cloned.1.call-start
scs
__scs_entry_jumppad:
0x0: {  	(pc) =	sbr.rel $0x88, $3  }
0x1: {  	(tag) =	ssettag $0x0;
	lr =	simm.s32 $0x1  }
0x2: {  	[smem:$0x3F9C] =	sst lr;
	_ =	strace $0xD0000000  }
0x3: {  	_ = 	snop  }
0x4: {  	_ = 	snop  }
0x5: {  	_ = 	snop  }
0x6: {  	_ = 	snop  }
0x7: {  	_ = 	snop  }
__scs_overlays_trampoline_lowered:
0x8: {  	[smem:$0x3FAB] =	sst s0  }
0x9: {  	[smem:$0x3FAC] =	sst s1  }
0xa: {  	[smem:$0x3FAD] =	sst s2  }
0xb: {  	[smem:$0x3FAE] =	sst s3  }
0xc: {  	[smem:$0x3FAF] =	sst s4  }
0xd: {  	[smem:$0x3FB0] =	sst s5  }
0xe: {  	[smem:$0x3FB1] =	sst s6  }
0xf: {  	[smem:$0x3FB2] =	sst s7  }
0x10: {  	[smem:$0x3FB3] =	sst s8  }
0x11: {  	[smem:$0x3FB4] =	sst s9;
	s0 =	simm.s32 @!p0 $0x0  }
0x12: {  	s1 =	sld [smem:$0x3F9A];
	s0 =	simm.s32 @p0 $0x1  }
0x13: {  	[smem:$0x3FB5] =	sst s0;
	s0 =	simm.s32 @!p1 $0x0  }
0x14: {  	s2 =	sld [smem:$0x3F99];
	s0 =	simm.s32 @p1 $0x1  }
0x15: {  	[smem:$0x3FB6] =	sst s0;
	s0 =	simm.s32 @!p2 $0x0  }
0x16: {  	s3 =	sld [smem:$0x3FDB];
	s0 =	simm.s32 @p2 $0x1  }
0x17: {  	s4 =	simm.s32 $0x1BF5;
	[smem:$0x3FB8] =	sst s0  }
0x18: {  	s0 =	sld [smem:$0x3F9B];
	_ =	swait.ge [sflag:s4], $0x0  }
0x19: {  	s7 =	sld [smem:$0x3F9C]  }
0x1a: {  	s8 =	sadd.s32 $0xFFFFE003, lr  }
0x1b: {  	s9 =	sadd.s32 $0xFFFFFEF7, lr;
	s5 =	simm.s32 $0xFFFFFFFF;
	p2 =	slt.u32 s8, $0xFFFFF086  }
0x1c: {  	p1 =	slt.u32 s9, $0xF7A;
	s5 =	simm.s32 @!p2 $0x0  }
0x1d: {  	s5 =	simm.s32 @p1 $0x1;
	p0 =	seq.s32 s7, s2  }
0x1e: {  	s7 =	smul.u32 @!p0 $0xF7A, s2;
	p2 =	seq.s32 @!p0 s5, $0x0  }
0x1f: {  	s9 =	smul.u32 $0xF7A, s1;
	s8 =	simm.s32 @!p0 $0x1BF5;
	p2 =	por !p2, p0  }
0x20: {  	[sflag:s8] =	ssyncset.s32 @!p0 $0xFFFFF086;
	s6 =	sadd.s32 @!p0 s3, s7;
	s7 =	simm.s32 @!p0 $0x108  }
0x21: {  	s3 =	sadd.s32 s3, s9;
	s6 =	sadd.s32 @!p0 $0x88, s6;
	s7 =	simm.s32 @p2 $0x1082  }
0x22: {  	[simem:s7], [sflag:s8] =	dma.local @!p0 [hbm:s6], $0xF7A  }
0x23: {  	s9 =	sor.u32 $0xD0000000, s2;
	s6 =	simm.s32 $0x108;
	_ =	swait.ge @!p0 [sflag:s8], $0x0  }
0x24: {  	s3 =	sadd.s32 $0x88, s3;
	s6 =	simm.s32 @!p1 $0x1082;
	[sflag:s4] =	ssyncset.s32 $0xFFFFF086  }
0x25: {  	[simem:s6], [sflag:s4] =	dma.local [hbm:s3], $0xF7A  }
0x26: {  	[smem:$0x3F9C] =	sst s1;
	(tag) =	ssettag s2;
	_ =	strace s9  }
0x27: {  	s1 =	sld [smem:$0x3FAC]  }
0x28: {  	s2 =	sld [smem:$0x3FAD]  }
0x29: {  	s4 =	sld [smem:$0x3FAF]  }
0x2a: {  	p0 =	seq.s32 s5, $0x0;
	s5 =	sld [smem:$0x3FB0]  }
0x2b: {  	s6 =	sld [smem:$0x3FB1]  }
0x2c: {  	s7 =	sld [smem:$0x3FB2]  }
0x2d: {  	s3 =	simm.s32 $0x108;
	s8 =	sld [smem:$0x3FB3]  }
0x2e: {  	s3 =	simm.s32 @!p0 $0x1082;
	s9 =	sld [smem:$0x3FB4]  }
0x2f: {  	lr =	sadd.s32 s0, s3;
	s0 =	sld [smem:$0x3FAB]  }
0x30: {  	s3 =	sld [smem:$0x3FAE]  }
0x31: {  	[smem:$0x3FB7] =	sst s10  }
0x32: {  	s10 =	sld [smem:$0x3FB5];
	_ =	sdelay $0x3  }
0x33: {  	p0 =	seq.s32 s10, $0x1;
	s10 =	sld [smem:$0x3FB7];
	_ =	sdelay $0x3  }
0x34: {  	[smem:$0x3FB7] =	sst s10  }
0x35: {  	s10 =	sld [smem:$0x3FB6];
	_ =	sdelay $0x3  }
0x36: {  	p1 =	seq.s32 s10, $0x1;
	s10 =	sld [smem:$0x3FB7];
	_ =	sdelay $0x3  }
0x37: {  	[smem:$0x3FB7] =	sst s10  }
0x38: {  	s10 =	sld [smem:$0x3FB8]  }
0x39: {  	_ = 	snop;
	(pc) =	sbr.ind lr, $3  }
0x3a: {  	_ = 	snop  }
0x3b: {  	_ = 	snop  }
0x3c: {  	p2 =	seq.s32 s10, $0x1;
	s10 =	sld [smem:$0x3FB7]  }
0x3d: {  	_ =	shalt  }
0x3e: {  	_ =	shalt  }
0x3f: {  	_ =	shalt  }
0x40: {  	_ =	shalt  }
0x41: {  	_ =	shalt  }
0x42: {  	_ =	shalt  }
0x43: {  	_ =	shalt  }
0x44: {  	_ =	shalt  }
0x45: {  	_ =	shalt  }
0x46: {  	_ =	shalt  }
0x47: {  	_ =	shalt  }
0x48: {  	_ =	shalt  }
0x49: {  	_ =	shalt  }
0x4a: {  	_ =	shalt  }
0x4b: {  	_ =	shalt  }
0x4c: {  	_ =	shalt  }
0x4d: {  	_ =	shalt  }
0x4e: {  	_ =	shalt  }
0x4f: {  	_ =	shalt  }
0x50: {  	_ =	shalt  }
0x51: {  	_ =	shalt  }
0x52: {  	_ =	shalt  }
0x53: {  	_ =	shalt  }
0x54: {  	_ =	shalt  }
0x55: {  	_ =	shalt  }
0x56: {  	_ =	shalt  }
0x57: {  	_ =	shalt  }
0x58: {  	_ =	shalt  }
0x59: {  	_ =	shalt  }
0x5a: {  	_ =	shalt  }
0x5b: {  	_ =	shalt  }
0x5c: {  	_ =	shalt  }
0x5d: {  	_ =	shalt  }
0x5e: {  	_ =	shalt  }
0x5f: {  	_ =	shalt  }
0x60: {  	_ =	shalt  }
0x61: {  	_ =	shalt  }
0x62: {  	_ =	shalt  }
0x63: {  	_ =	shalt  }
0x64: {  	_ =	shalt  }
0x65: {  	_ =	shalt  }
0x66: {  	_ =	shalt  }
0x67: {  	_ =	shalt  }
0x68: {  	_ =	shalt  }
0x69: {  	_ =	shalt  }
0x6a: {  	_ =	shalt  }
0x6b: {  	_ =	shalt  }
0x6c: {  	_ =	shalt  }
0x6d: {  	_ =	shalt  }
0x6e: {  	_ =	shalt  }
0x6f: {  	_ =	shalt  }
0x70: {  	_ =	shalt  }
0x71: {  	_ =	shalt  }
0x72: {  	_ =	shalt  }
0x73: {  	_ =	shalt  }
0x74: {  	_ =	shalt  }
0x75: {  	_ =	shalt  }
0x76: {  	_ =	shalt  }
0x77: {  	_ =	shalt  }
0x78: {  	_ =	shalt  }
0x79: {  	_ =	shalt  }
0x7a: {  	_ =	shalt  }
0x7b: {  	_ =	shalt  }
0x7c: {  	_ =	shalt  }
0x7d: {  	_ =	shalt  }
0x7e: {  	_ =	shalt  }
0x7f: {  	_ =	shalt  }
0x80: {  	_ =	shalt  }
0x81: {  	_ =	shalt  }
0x82: {  	_ =	shalt  }
0x83: {  	_ =	shalt  }
0x84: {  	_ =	shalt  }
0x85: {  	_ =	shalt  }
0x86: {  	_ =	shalt  }
0x87: {  	_ =	shalt  }
.Lfunc_end0:
.L_simem_size_0:
called_computation_lowered:
.L_overlay_start_0:
0x88: {  	s2 =	sld [smem:$0x3FD9]  }
0x89: {  	s3 =	sld [smem:$0x3FFE];
	_ =	sdelay $0x1  }
0x8a: {  	s1 =	srdreg.scid  }
0x8b: {  	s0 =	sand.u32 $0x1, s1  }
0x8c: {  	s17 =	sshll.u32 s0, $0xA;
	s2 =	sadd.s32 s3, s2  }
0x8d: {  	s2 =	sadd.s32 s2, s17  }
0x8e: {  	[smem:$0x3FC3] =	sst s2  }
0x8f: {  	_ = 	snop  }
0x90: {  	s2 =	sld [smem:$0x3FC6]  }
0x91: {  	s18 =	sld [smem:$0x3FC5]  }
0x92: {  	s4 =	sld [smem:$0x3FD0];
	(tm) =	ssettm $0x1  }
0x93: {  	s5 =	sld [smem:$0x3FFB];
	_ =	sdelay $0x3  }
0x94: {  	_ =	strace s5  }
0x95: {  	s5 =	sld [smem:$0x3FFC];
	_ =	sdelay $0x3  }
0x96: {  	_ =	strace s5  }
0x97: {  	s5 =	sld [smem:$0x3FFD];
	_ =	sdelay $0x3  }
0x98: {  	_ =	strace s5  }
0x99: {  	_ =	strace $0x8FFFFFFF  }
0x9a: {  	s19 =	sld [smem:$0x3FDB];
	_ =	sdelay $0x1  }
0x9b: {  	s6 =	simm.s32 $_scs_section_size  }
0x9c: {  	s7 =	simm.s32 $_size__tile_overlayer_lowered;
	s8 =	simm.s32 $_tile_overlayer_lowered  }
0x9d: {  	s22 =	simm.s32 $0x1BFF;
	s21 =	sshll.u32 s8, $0x1;
	s5 =	sadd.s32 s6, s19  }
0x9e: {  	s9 =	simm.s32 $0x0;
	s20 =	sshll.u32 s7, $0x1;
	s7 =	sadd.s32 s21, s5  }
0x9f: {  	[timem:s9], [sflag:s22] =	dma.local [hbm:s7], s20  }
0xa0: {  	_ =	swait.ge [sflag:s22], s20  }
0xa1: {  	s6 =	ssub.s32 $0x0, s20;
	[sflag:s22] =	ssyncset.done $0x0  }
0xa2: {  	[sflag:s22] =	ssyncadd.s32 s6;
	_ =	sdelay $0x1  }
0xa3: {  	s23 =	simm.s32 $0x1B8B  }
0xa4: {  	_ =	swait.ge [sflag:s23], $0x1  }
0xa5: {  	[sflag:s23] =	ssyncset.done $0x0  }
0xa6: {  	s25 =	simm.s32 $0x1B8E;
	s24 =	sld [smem:$0x3FFE];
	[sflag:s23] =	ssyncadd.s32 $0xFFFFFFFF  }
0xa7: {  	s26 =	simm.s32 $execute0_lowered;
	[smem:$0x3FD2] =	sst s25  }
0xa8: {  	s7 =	sshll.u32 s26, $0x1;
	_ =	strace $0x80000046;
	[dreg:$0x1] =	wrdreg $0xFFFFFFFF  }
0xa9: {  	s28 =	simm.s32 $_size_execute0_lowered;
	s5 =	sadd.s32 s5, s7;
	[dreg:$0x0] =	wrdreg $0x0  }
0xaa: {  	s7 =	sshll.u32 s28, $0x1;
	[dreg:$0x2] =	wrdreg s5  }
0xab: {  	[dreg:$0x3] =	wrdreg s7  }
0xac: {  	[dreg:$0x4] =	wrdreg $0xC0  }
0xad: {  	_ =	task [dreg:s9], $0x5FFFF  }
0xae: {  	[dreg:$0x1] =	wrdreg $0xFFFFFFFF  }
0xaf: {  	[dreg:$0x0] =	wrdreg $0x60  }
0xb0: {  	[dreg:$0x2] =	wrdreg s24  }
0xb1: {  	[dreg:$0x3] =	wrdreg s2  }
0xb2: {  	[dreg:$0x4] =	wrdreg s18  }
0xb3: {  	[dreg:$0x5] =	wrdreg s4  }
0xb4: {  	[dreg:$0x6] =	wrdreg $0x9  }
0xb5: {  	_ =	task.clear_ibuf [dreg:s9], $0x7FFFF;
	_ =	strace $0x90000046  }
0xb6: {  	s29 =	simm.s32 $0x9;
	_ =	strace $0x80000048  }
0xb7: {  	_ =	swait.ge [sflag:s29], $0x1  }
0xb8: {  	[sflag:s29] =	ssyncadd.s32 $0xFFFFFFFF  }
0xb9: {  	_ =	strace $0x90000048  }
0xba: {  	_ =	sfence  }
0xbb: {  	s30 =	sld [smem:$0x0];
	_ =	sdelay $0x2  }
0xbc: {  	s31 =	sshll.u32 s1, $0xD;
	s1 =	sshrl.u32 s1, $0x2  }
0xbd: {  	s3 =	sand.u32 $0x4000, s31;
	s1 =	sadd.s32 s1, s30  }
0xbe: {  	s0 =	sor.u32 s3, s0;
	s1 =	sshll.u32 s1, $0x11  }
0xbf: {  	s0 =	sor.u32 s1, s0  }
0xc0: {  	s0 =	sadd.s32 $0x8F2B, s0  }
0xc1: {  	[sflag:s0] =	ssyncadd.remote.s32 $0x1  }
0xc2: {  	_ =	sfence.sel $0xFFFF  }
0xc3: {  	[dreg:$0x0] =	wrdreg $0xFFFFFFFF;
	(pc) =	sbr.abs _section_cstart, $3  }
0xc4: {  	[dreg:$0x1] =	wrdreg $0xFFFFFFFF  }
0xc5: {  	_ =	task.clear_ibuf [dreg:s9], $0x2FFFF;
	_ =	strace $0x9FFFFFFF  }
0xc6: {  	(tm) =	ssettm $0x7FFFFFFF  }
0xc7: {  	_ =	shalt  }
tec
execute0_lowered:
.L_overlay_start_1:
0x0: {  	(tag) =	ssettag $0x1  }
0x1: {  	s0 =	rddreg [dreg:$0x0]  }
0x2: {  	s1 =	rddreg [dreg:$0x1];
	s25 =	srdreg.scid  }
0x3: {  	s3 =	stileid.u32;
	s6 =	rddreg [dreg:$0x3]  }
0x4: {  	s12 =	simm.s32 $0x3;
	s14 =	simm.s32 $0x1;
	s15 =	simm.s32 $0x2  }
0x5: {  	s16 =	simm.s32 $0x0;
	[dreg:$0x5] =	wrdreg s1;
	s1 =	sand.u32 $0x1, s25  }
0x6: {  	v0 =	vlaneseq.u32;
	s2 =	sshll.u32 s3, $0x8;
	s4 =	sshrl.u32 s3, $0x2;
	s3 =	simm.s32 $0x0  }
0x7: {  	v1 =	vor.u32 $0x10, v0;
	s26 =	sshll.u32 s1, $0x7;
	s2 =	sand.u32 $0x300, s2;
	[smem:$0x7FF] =	sst s3  }
0x8: {  	v9 =	vor.u32 $0x80, v0;
	s5 =	sshll.u32 s4, $0x12;
	s7 =	sshll.u32 s4, $0xA;
	_ =	strace $0x80000047;
	[tilespmem:$0x1FF70] =	vst v1  }
0x9: {  	v10 =	vor.u32 $0x90, v0;
	s1 =	ssub.s32 $0x2, s1;
	s4 =	sshll.u32 s4, $0xD;
	s2 =	sor.u32 s26, s2;
	[tilespmem:$0x1FF80] =	vst v9  }
0xa: {  	v11 =	vor.u32 $0xA0, v0;
	s28 =	sshrl.u32 s1, $0x1;
	[tilespmem:$0x1FF90] =	vst v10;
	s5 =	sor.u32 s5, s2;
	s7 =	sor.u32 s7, s2  }
0xb: {  	v12 =	vor.u32 $0xB0, v0;
	[tilespmem:$0x1FFA0] =	vst v11;
	s2 =	sor.u32 s4, s2;
	s1 =	ssub.s32 s1, s28;
	s5 =	sshrl.u32 s5, $0x3  }
0xc: {  	v13 =	vor.u32 $0xC0, v0;
	[tilespmem:$0x1FFB0] =	vst v12;
	s7 =	sshrl.u32 s7, $0x3;
	s2 =	sshrl.u32 s2, $0x3;
	s31 =	smax.u32 s1, $0x1  }
0xd: {  	v14 =	vor.u32 $0xD0, v0;
	[tilespmem:$0x1FFC0] =	vst v13;
	s5 =	sadd.s32 s5, s0;
	s30 =	sadd.s32 s6, s2;
	[dreg:$0x9] =	wrdreg s31  }
0xe: {  	v2 =	vor.u32 $0x20, v0;
	v15 =	vor.u32 $0xE0, v0;
	[tilespmem:$0x1FFD0] =	vst v14;
	s0 =	sadd.s32 s7, s0;
	s29 =	sadd.s32 $0xE00, s5;
	[dreg:$0x8] =	wrdreg s30  }
0xf: {  	v3 =	vor.u32 $0x30, v0;
	v4 =	vor.u32 $0x40, v0;
	v33 =	vor.u32 $0xF0, v0;
	[tilespmem:$0x1FFE0] =	vst v15;
	s1 =	simm.s32 $0x80;
	s0 =	sadd.s32 $0x20E00, s0;
	[dreg:$0x6] =	wrdreg s29  }
0x10: {  	v5 =	vor.u32 $0x50, v0;
	v6 =	vor.u32 $0x60, v0;
	v7 =	vor.u32 $0x70, v0;
	[tilespmem:$0x1FFF0] =	vst v33;
	s2 =	simm.s32 $0x400;
	s5 =	simm.s32 $0x10800;
	[dreg:$0x7] =	wrdreg s0  }
.LBB2_1:
0x11: {  	s0 =	rddreg [dreg:$0x6]  }
0x12: {  	[tilespmem:s3], [sflag:$0x1] =	stream.strided.gather [hbm4b:s0+s1], $0x8000, s2, s1, $0x38;
	[tilespmem:$0x10C00] =	vst v63  }
0x13: {  	s29 =	rddreg [dreg:$0x7];
	s30 =	simm.s32 $0x1000;
	s4 =	simm.s32 $0x8000  }
0x14: {  	[tilespmem:s4], [sflag:$0x3] =	stream.strided.gather [hbm4b:s29+s1], $0x800, s30, s1, $0x38;
	[tilespmem:$0x10C00] =	vst v63  }
0x15: {  	_ =	swait.ge [sflag:s12], $0x800  }
0x16: {  	[sflag:s12] =	ssyncset.done $0x0  }
0x17: {  	[sflag:s12] =	ssyncadd.s32 $0xFFFFF800  }
0x18: {  	s31 =	rddreg [dreg:$0x2]  }
0x19: {  	[tilespmem:s5], [sflag:$0x3] =	stream.linear.gather [hbm4b:s31+s3], $0x400, $0x38;
	[tilespmem:$0x10C00] =	vst v63  }
0x1a: {  	_ =	swait.ge [sflag:s12], $0x400  }
0x1b: {  	[sflag:s12] =	ssyncset.done $0x0  }
0x1c: {  	[sflag:s12] =	ssyncadd.s32 $0xFFFFFC00  }
0x1d: {  	_ =	swait.ge [sflag:s14], $0x8000  }
0x1e: {  	s17 =	simm.s32 $0x0;
	[sflag:s14] =	ssyncset.done $0x0  }
0x1f: {  	v16 =	vimm.f32 $0.0e+00;
	s18 =	simm.s32 $0x0;
	v17 =	vimm.f32 $0.0e+00;
	s19 =	simm.s32 $0x0;
	[sflag:s14] =	ssyncadd.s32 $0xFFFF8000  }
.LBB2_2:
0x20: {  	v8 =	vld [tilespmem:$0x8000]  }
0x21: {  	v18 =	vld [tilespmem:$0x8080]  }
0x22: {  	v19 =	vld [tilespmem:$0x8100]  }
0x23: {  	v20 =	vld [tilespmem:$0x8180]  }
0x24: {  	v21 =	vld [tilespmem:$0x8200]  }
0x25: {  	v22 =	vld [tilespmem:$0x8280]  }
0x26: {  	v23 =	vld [tilespmem:$0x8300]  }
0x27: {  	v24 =	vld [tilespmem:$0x8380]  }
0x28: {  	v25 =	vld [tilespmem:$0x8400]  }
0x29: {  	v26 =	vld [tilespmem:$0x8480]  }
0x2a: {  	v27 =	vld [tilespmem:$0x8500]  }
0x2b: {  	v28 =	vld [tilespmem:$0x8580]  }
0x2c: {  	v29 =	vld [tilespmem:$0x8600]  }
0x2d: {  	v30 =	vld [tilespmem:$0x8680]  }
0x2e: {  	v31 =	vld [tilespmem:$0x8700]  }
0x2f: {  	v32 =	vld [tilespmem:$0x8780];
	_ =	sdelay $0x2  }
0x30: {  	vm0 =	vgt.f32 v18, v8;
	vm1 =	vgt.f32 v20, v19  }
0x31: {  	vm2 =	vgt.f32 v22, v21;
	vm3 =	vgt.f32 v24, v23;
	vm4 =	vgt.f32 v26, v25  }
0x32: {  	vm5 =	vgt.f32 v28, v27;
	vm14 =	vgt.f32 v30, v29;
	vm15 =	vgt.f32 v32, v31  }
0x33: {  	v8 =	vsel vm0, v18, v8;
	v18 =	vsel vm1, v20, v19;
	v19 =	vsel vm2, v22, v21  }
0x34: {  	v60 =	vsel vm3, v24, v23;
	v61 =	vsel vm4, v26, v25;
	v62 =	vsel vm0, v1, v0  }
0x35: {  	v63 =	vsel vm5, v28, v27;
	v34 =	vsel vm1, v3, v2;
	v35 =	vsel vm14, v30, v29  }
0x36: {  	v36 =	vsel vm2, v5, v4;
	v37 =	vsel vm15, v32, v31;
	v38 =	vsel vm3, v7, v6  }
0x37: {  	v39 =	vsel vm5, v12, v11;
	v40 =	vsel vm14, v14, v13;
	v41 =	vsel vm15, v33, v15  }
0x38: {  	vm8 =	vgt.f32 v18, v8;
	vm9 =	vgt.f32 v60, v19;
	vm10 =	vgt.f32 v63, v61  }
0x39: {  	vm11 =	vgt.f32 v37, v35;
	v8 =	vsel vm8, v18, v8;
	v18 =	vsel vm4, v10, v9  }
0x3a: {  	v19 =	vsel vm9, v60, v19;
	v21 =	vsel vm10, v63, v61;
	v25 =	vsel vm11, v37, v35  }
0x3b: {  	v22 =	vsel vm8, v34, v62;
	vm12 =	vgt.f32 v19, v8;
	vm13 =	vgt.f32 v25, v21  }
0x3c: {  	v42 =	vsel vm9, v38, v36;
	v8 =	vsel vm12, v19, v8;
	v19 =	vsel vm13, v25, v21  }
0x3d: {  	v43 =	vsel vm11, v41, v40;
	v18 =	vsel vm10, v39, v18;
	vm14 =	vgt.f32 v19, v8  }
0x3e: {  	v44 =	vsel vm12, v42, v22;
	v18 =	vsel vm13, v43, v18;
	v8 =	vsel vm14, v19, v8  }
0x3f: {  	v18 =	vsel vm14, v18, v44;
	(v2sf) =	vpush v8, $0x0  }
0x40: {  	(v2sf) =	vpush v18, $0x0  }
0x41: {  	(v2sf) =	vpush v8, $0x1  }
0x42: {  	(v2sf) =	vpush v18, $0x1  }
0x43: {  	(v2sf) =	vpush v8, $0x2  }
0x44: {  	(v2sf) =	vpush v18, $0x2  }
0x45: {  	(v2sf) =	vpush v8, $0x3  }
0x46: {  	(v2sf) =	vpush v18, $0x3  }
0x47: {  	(v2sf) =	vpush v8, $0x4  }
0x48: {  	(v2sf) =	vpush v18, $0x4  }
0x49: {  	(v2sf) =	vpush v8, $0x5  }
0x4a: {  	(v2sf) =	vpush v18, $0x5  }
0x4b: {  	(v2sf) =	vpush v8, $0x6  }
0x4c: {  	(v2sf) =	vpush v18, $0x6  }
0x4d: {  	(v2sf) =	vpush v8, $0x7  }
0x4e: {  	s20 =	spop (v2sf);
	(v2sf) =	vpush v18, $0x7  }
0x4f: {  	s21 =	spop (v2sf);
	(v2sf) =	vpush v8, $0x8  }
0x50: {  	s0 =	spop (v2sf);
	(v2sf) =	vpush v18, $0x8  }
0x51: {  	s1 =	spop (v2sf)  }
0x52: {  	s26 =	spop (v2sf)  }
0x53: {  	s28 =	spop (v2sf)  }
0x54: {  	s2 =	spop (v2sf)  }
0x55: {  	s10 =	spop (v2sf)  }
0x56: {  	(v2sf) =	vpush v8, $0x9;
	s23 =	spop (v2sf)  }
0x57: {  	(v2sf) =	vpush v18, $0x9;
	s24 =	spop (v2sf)  }
0x58: {  	(v2sf) =	vpush v8, $0xA;
	s11 =	spop (v2sf)  }
0x59: {  	p0 =	seq.f32 s0, s20;
	(v2sf) =	vpush v18, $0xA;
	s9 =	spop (v2sf)  }
0x5a: {  	p1 =	slt.u32 s1, s21;
	(v2sf) =	vpush v8, $0xB;
	s30 =	spop (v2sf)  }
0x5b: {  	p2 =	sgt.f32 s0, s20;
	p0 =	por !p0, !p1;
	(v2sf) =	vpush v18, $0xB;
	s29 =	spop (v2sf)  }
0x5c: {  	p0 =	por !p0, !p0;
	s4 =	spop (v2sf)  }
0x5d: {  	p4 =	seq.f32 s2, s26;
	p0 =	por p2, p0;
	(v2sf) =	vpush v8, $0xC;
	s5 =	spop (v2sf)  }
0x5e: {  	p5 =	sgt.f32 s2, s26;
	p3 =	slt.u32 s10, s28;
	(v2sf) =	vpush v18, $0xC;
	s22 =	spop (v2sf)  }
0x5f: {  	s20 =	smov.u32 @p0 s0;
	p1 =	por !p4, !p3;
	s25 =	spop (v2sf);
	(v2sf) =	vpush v8, $0xD  }
0x60: {  	s21 =	smov.u32 @p0 s1;
	p1 =	por !p1, !p1;
	p6 =	seq.f32 s11, s23;
	(v2sf) =	vpush v18, $0xD  }
0x61: {  	p0 =	por p5, p1;
	p3 =	sgt.f32 s11, s23;
	p2 =	slt.u32 s9, s24;
	(v2sf) =	vpush v8, $0xE  }
0x62: {  	s26 =	smov.u32 @p0 s2;
	s28 =	smov.u32 @p0 s10;
	p0 =	por !p6, !p2;
	(v2sf) =	vpush v18, $0xE  }
0x63: {  	p0 =	por !p0, !p0;
	p4 =	seq.f32 s4, s30;
	(v2sf) =	vpush v8, $0xF  }
0x64: {  	p0 =	por p3, p0;
	p6 =	sgt.f32 s4, s30;
	p5 =	slt.u32 s5, s29;
	(v2sf) =	vpush v18, $0xF  }
0x65: {  	s23 =	smov.u32 @p0 s11;
	p1 =	por !p4, !p5;
	s13 =	spop (v2sf)  }
0x66: {  	s24 =	smov.u32 @p0 s9;
	p1 =	por !p1, !p1;
	s6 =	spop (v2sf)  }
0x67: {  	p0 =	por p6, p1;
	p4 =	seq.f32 s13, s22;
	s31 =	spop (v2sf)  }
0x68: {  	p6 =	sgt.f32 s13, s22;
	p5 =	slt.u32 s6, s25;
	s0 =	spop (v2sf)  }
0x69: {  	s30 =	smov.u32 @p0 s4;
	p1 =	por !p4, !p5;
	s7 =	spop (v2sf)  }
0x6a: {  	p2 =	por !p1, !p1;
	s8 =	spop (v2sf);
	p4 =	seq.f32 s7, s31  }
0x6b: {  	s29 =	smov.u32 @p0 s5;
	p0 =	por p6, p2;
	p5 =	slt.u32 s8, s0  }
0x6c: {  	p6 =	sgt.f32 s7, s31;
	s2 =	spop (v2sf);
	p1 =	por !p4, !p5  }
0x6d: {  	s22 =	smov.u32 @p0 s13;
	p2 =	por !p1, !p1;
	s1 =	spop (v2sf)  }
0x6e: {  	s25 =	smov.u32 @p0 s6;
	p0 =	por p6, p2;
	s9 =	spop (v2sf)  }
0x6f: {  	s31 =	smov.u32 @p0 s7;
	s4 =	spop (v2sf)  }
0x70: {  	s0 =	smov.u32 @p0 s8;
	p3 =	seq.f32 s9, s2;
	s5 =	spop (v2sf)  }
0x71: {  	p5 =	sgt.f32 s9, s2;
	p4 =	slt.u32 s4, s1;
	s10 =	spop (v2sf)  }
0x72: {  	p1 =	por !p3, !p4;
	p3 =	slt.u32 s0, s25;
	s6 =	spop (v2sf)  }
0x73: {  	p1 =	por !p1, !p1;
	s7 =	spop (v2sf);
	p6 =	seq.f32 s6, s5  }
0x74: {  	p0 =	por p5, p1;
	p5 =	sgt.f32 s6, s5;
	p4 =	slt.u32 s7, s10  }
0x75: {  	s2 =	smov.u32 @p0 s9;
	p1 =	por !p6, !p4;
	p6 =	seq.f32 s26, s20  }
0x76: {  	s1 =	smov.u32 @p0 s4;
	p4 =	slt.u32 s28, s21;
	p1 =	por !p1, !p1  }
0x77: {  	p0 =	por p5, p1;
	p5 =	sgt.f32 s26, s20;
	p1 =	por !p6, !p4  }
0x78: {  	p6 =	seq.f32 s30, s23;
	p4 =	slt.u32 s29, s24;
	p1 =	por !p1, !p1  }
0x79: {  	s5 =	smov.u32 @p0 s6;
	s10 =	smov.u32 @p0 s7;
	p1 =	por p5, p1  }
0x7a: {  	p5 =	sgt.f32 s30, s23;
	p2 =	por !p6, !p4;
	p4 =	sgt.f32 s31, s22  }
0x7b: {  	s20 =	smov.u32 @p1 s26;
	p6 =	por !p2, !p2;
	p2 =	seq.f32 s31, s22  }
0x7c: {  	s21 =	smov.u32 @p1 s28;
	p0 =	por p5, p6;
	p5 =	seq.f32 s5, s2  }
0x7d: {  	p6 =	slt.u32 s10, s1;
	s23 =	smov.u32 @p0 s30;
	p1 =	por !p2, !p3  }
0x7e: {  	p1 =	por !p1, !p1;
	p2 =	por !p5, !p6;
	p5 =	sgt.f32 s5, s2  }
0x7f: {  	s24 =	smov.u32 @p0 s29;
	p0 =	por p4, p1;
	p6 =	por !p2, !p2  }
0x80: {  	s22 =	smov.u32 @p0 s31;
	s25 =	smov.u32 @p0 s0;
	p0 =	por p5, p6  }
0x81: {  	s2 =	smov.u32 @p0 s5  }
0x82: {  	p2 =	seq.f32 s23, s20;
	s1 =	smov.u32 @p0 s10;
	p4 =	seq.f32 s2, s22  }
0x83: {  	p3 =	slt.s32 s24, s21;
	p5 =	sgt.f32 s23, s20;
	p6 =	slt.s32 s1, s25  }
0x84: {  	p0 =	por !p2, !p3;
	p1 =	por !p4, !p6;
	p4 =	sgt.f32 s2, s22  }
0x85: {  	p0 =	por !p0, !p0;
	p1 =	por !p1, !p1  }
0x86: {  	p0 =	por p5, p0;
	p1 =	por p4, p1  }
0x87: {  	s20 =	smov.u32 @p0 s23;
	s22 =	smov.u32 @p1 s2  }
0x88: {  	s21 =	smov.u32 @p0 s24;
	s25 =	smov.u32 @p1 s1;
	p5 =	seq.f32 s22, s20  }
0x89: {  	p1 =	slt.s32 s25, s21  }
0x8a: {  	p6 =	sgt.f32 s22, s20;
	p0 =	por !p5, !p1  }
0x8b: {  	p0 =	por !p0, !p0  }
0x8c: {  	p0 =	por p6, p0  }
0x8d: {  	s21 =	smov.u32 @p0 s25  }
0x8e: {  	s13 =	sshll.u32 s21, $0x9  }
0x8f: {  	s0 =	sshra.s32 s13, $0x2  }
0x90: {  	v8 =	vld [tilespmem:s0+$0x70]  }
0x91: {  	v18 =	vld [tilespmem:s0+$0x60]  }
0x92: {  	v19 =	vld [tilespmem:s0+$0x50]  }
0x93: {  	v45 =	vld [tilespmem:s0+$0x40]  }
0x94: {  	s20 =	smov.u32 @p0 s22;
	v46 =	vld [tilespmem:s0+$0x30]  }
0x95: {  	v47 =	vld [tilespmem:s0+$0x20];
	vm15 =	veq.f32 v8, s20  }
0x96: {  	v48 =	vld [tilespmem:s0+$0x10];
	vm4 =	veq.f32 v18, s20;
	v49 =	vnsel vm15, $0x8000, v7  }
0x97: {  	v50 =	vld [tilespmem:s0+$0x0];
	vm5 =	veq.f32 v19, s20;
	v24 =	vsel vm4, v6, v49  }
0x98: {  	vm6 =	veq.f32 v45, s20;
	v24 =	vsel vm5, v5, v24  }
0x99: {  	vm7 =	veq.f32 v46, s20;
	v24 =	vsel vm6, v4, v24  }
0x9a: {  	vm8 =	veq.f32 v47, s20;
	v24 =	vsel vm7, v3, v24  }
0x9b: {  	vm9 =	veq.f32 v48, s20;
	v24 =	vsel vm8, v2, v24  }
0x9c: {  	vm10 =	veq.f32 v50, s20;
	v24 =	vsel vm9, v1, v24  }
0x9d: {  	v24 =	vsel vm10, v0, v24  }
0x9e: {  	(v2sf) =	vpush v24, $0x0  }
0x9f: {  	(v2sf) =	vpush v24, $0x1  }
0xa0: {  	(v2sf) =	vpush v24, $0x2  }
0xa1: {  	(v2sf) =	vpush v24, $0x3  }
0xa2: {  	(v2sf) =	vpush v24, $0x4  }
0xa3: {  	(v2sf) =	vpush v24, $0x5  }
0xa4: {  	(v2sf) =	vpush v24, $0x6  }
0xa5: {  	(v2sf) =	vpush v24, $0x7  }
0xa6: {  	(v2sf) =	vpush v24, $0x8  }
0xa7: {  	(v2sf) =	vpush v24, $0x9  }
0xa8: {  	(v2sf) =	vpush v24, $0xA  }
0xa9: {  	(v2sf) =	vpush v24, $0xB  }
0xaa: {  	(v2sf) =	vpush v24, $0xC  }
0xab: {  	(v2sf) =	vpush v24, $0xD  }
0xac: {  	(v2sf) =	vpush v24, $0xE  }
0xad: {  	s0 =	spop (v2sf);
	(v2sf) =	vpush v24, $0xF  }
0xae: {  	s2 =	spop (v2sf)  }
0xaf: {  	s1 =	spop (v2sf)  }
0xb0: {  	s4 =	spop (v2sf)  }
0xb1: {  	s5 =	spop (v2sf)  }
0xb2: {  	s6 =	spop (v2sf)  }
0xb3: {  	s7 =	spop (v2sf)  }
0xb4: {  	s8 =	spop (v2sf)  }
0xb5: {  	s9 =	spop (v2sf)  }
0xb6: {  	p0 =	slt.s32 s0, s2;
	s10 =	spop (v2sf)  }
0xb7: {  	s2 =	smov.u32 @p0 s0;
	p0 =	slt.s32 s1, s4;
	s11 =	spop (v2sf)  }
0xb8: {  	s4 =	smov.u32 @p0 s1;
	p0 =	slt.s32 s5, s6;
	s13 =	spop (v2sf)  }
0xb9: {  	s6 =	smov.u32 @p0 s5;
	p0 =	slt.s32 s7, s8;
	s22 =	spop (v2sf)  }
0xba: {  	s8 =	smov.u32 @p0 s7;
	p0 =	slt.s32 s9, s10;
	s0 =	spop (v2sf)  }
0xbb: {  	s10 =	smov.u32 @p0 s9;
	p1 =	slt.s32 s11, s13;
	s23 =	spop (v2sf)  }
0xbc: {  	s13 =	smov.u32 @p1 s11;
	p0 =	slt.s32 s22, s0;
	s1 =	spop (v2sf)  }
0xbd: {  	p1 =	slt.s32 s2, s4;
	s0 =	smov.u32 @p0 s22;
	p0 =	slt.s32 s23, s1  }
0xbe: {  	s4 =	smov.u32 @p1 s2;
	s1 =	smov.u32 @p0 s23;
	p0 =	slt.s32 s6, s8  }
0xbf: {  	s8 =	smov.u32 @p0 s6;
	p0 =	slt.s32 s10, s13;
	p1 =	slt.s32 s0, s1  }
0xc0: {  	s13 =	smov.u32 @p0 s10;
	s1 =	smov.u32 @p1 s0  }
0xc1: {  	p0 =	slt.s32 s4, s8;
	p1 =	slt.s32 s13, s1  }
0xc2: {  	s8 =	smov.u32 @p0 s4;
	s1 =	smov.u32 @p1 s13  }
0xc3: {  	p0 =	slt.s32 s8, s1  }
0xc4: {  	s1 =	smov.u32 @p0 s8  }
0xc5: {  	s23 =	sand.u32 $0xF, s1  }
0xc6: {  	s24 =	sshra.s32 s1, $0x1F;
	p3 =	slt.s32 s1, $0x1;
	p2 =	sne.s32 s23, $0x0  }
0xc7: {  	v51 =	vmin.f32 v50, $-Inf;
	v52 =	vmin.f32 v50, v48;
	v23 =	vmax.f32 v50, v48;
	s0 =	sshrl.u32 s24, $0x1C;
	p1 =	por !p3, !p2  }
0xc8: {  	v25 =	vmin.f32 v23, v47;
	v22 =	vmax.f32 v23, v47;
	v24 =	vmax.f32 v51, v52;
	s2 =	simm.s32 $0x1;
	s0 =	sadd.s32 s0, s1;
	p1 =	por !p1, !p1  }
0xc9: {  	v54 =	vmin.f32 v22, v46;
	v21 =	vmax.f32 v22, v46;
	v53 =	vmax.f32 v24, v25;
	s0 =	sshrl.u32 s0, $0x4;
	s2 =	simm.s32 @!p1 $0x0  }
0xca: {  	v56 =	vmin.f32 v21, v45;
	v20 =	vmax.f32 v21, v45;
	v55 =	vmax.f32 v53, v54;
	s0 =	ssub.s32 s2, s0  }
0xcb: {  	v58 =	vmin.f32 v20, v19;
	v19 =	vmax.f32 v20, v19;
	v57 =	vmax.f32 v55, v56;
	s0 =	sshll.u32 s0, $0x4  }
0xcc: {  	v60 =	vmin.f32 v19, v18;
	v18 =	vmax.f32 v19, v18;
	v59 =	vmax.f32 v57, v58;
	s0 =	sadd.s32 s1, s0  }
0xcd: {  	s25 =	sshll.u32 s21, $0x7;
	v61 =	vmin.f32 v18, v8;
	v19 =	vmax.f32 v59, v60;
	v62 =	vmov s0  }
0xce: {  	v8 =	vmax.f32 v18, v8;
	v19 =	vmax.f32 v19, v61;
	s0 =	sadd.s32 s25, s1;
	vm11 =	veq.s32 v62, v0  }
0xcf: {  	s1 =	sshll.u32 s1, $0x7;
	s26 =	sshll.u32 s0, $0xA;
	v8 =	vsel vm11, v19, v8  }
0xd0: {  	s1 =	sand.u32 $0x380, s1;
	s2 =	sand.u32 $0xFFFFE000, s26;
	(v2sf) =	vpush v8, $0x0  }
0xd1: {  	s29 =	sand.u32 $0x6000, s17;
	s30 =	sand.u32 $0x380, s18;
	s1 =	sor.u32 s1, s2  }
0xd2: {  	s28 =	rddreg [dreg:$0x5];
	s31 =	sor.u32 s30, s29;
	(v2sf) =	vpush v8, $0x1;
	s1 =	sshrl.u32 s1, $0x3  }
0xd3: {  	s5 =	sor.u32 $0x8800, s31;
	(v2sf) =	vpush v8, $0x2;
	s1 =	sadd.s32 s28, s1  }
0xd4: {  	(v2sf) =	vpush v8, $0x3;
	[tilespmem:s5], [sflag:$0x2] =	stream.linear.gather [hbm4b:s1+s3], $0x80, $0x38;
	[tilespmem:$0x10C00] =	vst v63  }
0xd5: {  	s10 =	sor.u32 $0x8C00, s31;
	s4 =	sadd.s32 $0x80, s1;
	(v2sf) =	vpush v8, $0x4  }
0xd6: {  	[tilespmem:s10], [sflag:$0x2] =	stream.linear.gather [hbm4b:s4+s3], $0x80, $0x38;
	[tilespmem:$0x10C00] =	vst v63  }
0xd7: {  	s13 =	sor.u32 $0x9000, s31;
	s11 =	sadd.s32 $0x100, s1  }
0xd8: {  	[tilespmem:s13], [sflag:$0x2] =	stream.linear.gather [hbm4b:s11+s3], $0x80, $0x38;
	[tilespmem:$0x10C00] =	vst v63  }
0xd9: {  	s23 =	sor.u32 $0x9400, s31;
	s22 =	sadd.s32 $0x180, s1  }
0xda: {  	(v2sf) =	vpush v8, $0x5;
	[tilespmem:s23], [sflag:$0x2] =	stream.linear.gather [hbm4b:s22+s3], $0x80, $0x38;
	[tilespmem:$0x10C00] =	vst v63  }
0xdb: {  	s25 =	sor.u32 $0x9800, s31;
	s24 =	sadd.s32 $0x200, s1;
	(v2sf) =	vpush v8, $0x6  }
0xdc: {  	(v2sf) =	vpush v8, $0x7;
	[tilespmem:s25], [sflag:$0x2] =	stream.linear.gather [hbm4b:s24+s3], $0x80, $0x38;
	[tilespmem:$0x10C00] =	vst v63  }
0xdd: {  	s28 =	sor.u32 $0x9C00, s31;
	s26 =	sadd.s32 $0x280, s1;
	(v2sf) =	vpush v8, $0x8  }
0xde: {  	(v2sf) =	vpush v8, $0x9;
	[tilespmem:s28], [sflag:$0x2] =	stream.linear.gather [hbm4b:s26+s3], $0x80, $0x38;
	[tilespmem:$0x10C00] =	vst v63  }
0xdf: {  	s9 =	sadd.s32 $0xA000, s31;
	s8 =	sadd.s32 $0x300, s1;
	(v2sf) =	vpush v8, $0xA;
	s4 =	spop (v2sf)  }
0xe0: {  	(v2sf) =	vpush v8, $0xB;
	[tilespmem:s9], [sflag:$0x2] =	stream.linear.gather [hbm4b:s8+s3], $0x80, $0x38;
	[tilespmem:$0x10C00] =	vst v63  }
0xe1: {  	p4 =	slt.s32 s0, $0x1;
	s5 =	spop (v2sf);
	(v2sf) =	vpush v8, $0xC  }
0xe2: {  	p6 =	slt.s32 s21, $0x1;
	p0 =	por !p4, !p2;
	s29 =	spop (v2sf);
	(v2sf) =	vpush v8, $0xD  }
0xe3: {  	s2 =	sadd.s32 $0xA400, s31;
	p0 =	por !p0, !p0;
	s10 =	spop (v2sf);
	(v2sf) =	vpush v8, $0xE  }
0xe4: {  	s1 =	sadd.s32 $0x380, s1;
	s28 =	sand.u32 $0xF, s21;
	s23 =	spop (v2sf);
	(v2sf) =	vpush v8, $0xF  }
0xe5: {  	s13 =	sshra.s32 s0, $0x1F;
	p5 =	sne.s32 s28, $0x0;
	s9 =	simm.s32 $0x1  }
0xe6: {  	[tilespmem:s2], [sflag:$0x2] =	stream.linear.gather [hbm4b:s1+s3], $0x80, $0x38;
	[tilespmem:$0x10C00] =	vst v63  }
0xe7: {  	s2 =	sshrl.u32 s13, $0x1C;
	s13 =	simm.s32 $0x1;
	s4 =	smax.f32 s4, s5  }
0xe8: {  	s2 =	sadd.s32 s2, s0;
	s13 =	simm.s32 @!p0 $0x0;
	p0 =	por !p6, !p5  }
0xe9: {  	s2 =	sshrl.u32 s2, $0x4;
	s6 =	smax.f32 s29, s10;
	s30 =	spop (v2sf)  }
0xea: {  	s29 =	sshra.s32 s21, $0x1F;
	s2 =	ssub.s32 s2, s13;
	s31 =	spop (v2sf)  }
0xeb: {  	p0 =	por !p0, !p0;
	s2 =	sshll.u32 s2, $0x4;
	s11 =	spop (v2sf)  }
0xec: {  	s7 =	sshrl.u32 s29, $0x1C;
	s4 =	smax.f32 s4, s6;
	v8 =	vld [tilespmem:s2+$0x0];
	s22 =	spop (v2sf)  }
0xed: {  	s9 =	simm.s32 @!p0 $0x0;
	s8 =	smax.f32 s23, s30;
	s24 =	spop (v2sf)  }
0xee: {  	s7 =	sadd.s32 s7, s21;
	s0 =	ssub.s32 s0, s2;
	s25 =	spop (v2sf)  }
0xef: {  	s7 =	sshra.s32 s7, $0x4;
	v18 =	vmov s0;
	s1 =	smax.f32 s31, s11;
	s26 =	spop (v2sf)  }
0xf0: {  	s7 =	ssub.s32 s7, s9;
	vm12 =	veq.s32 v18, v0;
	s1 =	smax.f32 s8, s1;
	s30 =	spop (v2sf)  }
0xf1: {  	s11 =	smax.f32 s22, s24;
	s24 =	sshll.u32 s7, $0x9;
	v8 =	vsel vm12, $0xFF800000, v8;
	s31 =	spop (v2sf)  }
0xf2: {  	s28 =	sshra.s32 s24, $0x2;
	[tilespmem:s2+$0x0] =	vst v8;
	s25 =	smax.f32 s25, s26;
	s23 =	spop (v2sf)  }
0xf3: {  	p0 =	sne.s32 s19, $0x1F;
	v8 =	vld [tilespmem:s28+$0x8000];
	s2 =	smax.f32 s11, s25;
	s26 =	spop (v2sf)  }
0xf4: {  	s29 =	sshll.u32 s7, $0x4;
	s0 =	smax.f32 s30, s31;
	s5 =	smax.f32 s23, s26  }
.Ltmp0:
0xf5: {  	s30 =	ssub.s32 s21, s29;
	s0 =	smax.f32 s0, s5;
	(pc) =	sbr.rel @p0 .LBB2_2-.Ltmp0, $4  }
0xf6: {  	s1 =	smax.f32 s4, s1;
	s31 =	sadd.s32 $0xFFFFFFF0, s19;
	v18 =	vmov s30;
	s0 =	smax.f32 s2, s0  }
0xf7: {  	v63 =	vmov s19;
	v19 =	vmov s31;
	vm13 =	veq.s32 v18, v0;
	s0 =	smax.f32 s1, s0  }
0xf8: {  	vm14 =	veq.s32 v63, v0;
	vm15 =	veq.s32 v19, v0;
	v8 =	vsel vm13, s0, v8  }
0xf9: {  	s18 =	sadd.s32 $0x80, s18;
	s17 =	sadd.s32 $0x400, s17;
	v17 =	vsel vm14, s20, v17;
	s19 =	sadd.s32 $0x1, s19;
	v16 =	vsel vm15, s20, v16;
	[tilespmem:s28+$0x8000] =	vst v8  }
0xfa: {  	_ =	swait.ge [sflag:s15], $0x8000;
	s19 =	simm.s32 $0x0  }
0xfb: {  	[sflag:s15] =	ssyncset.done $0x0;
	s0 =	sand.u32 $0x70, s19;
	s1 =	sand.u32 $0x1C00, s19  }
0xfc: {  	[sflag:s15] =	ssyncadd.s32 $0xFFFF8000;
	s18 =	sor.u32 s0, s1  }
0xfd: {  	v26 =	vbroadcast v17, $0x0;
	v32 =	vbroadcast v17, $0x1;
	v44 =	vld [tilespmem:s18+$0xEA00]  }
0xfe: {  	v27 =	vbroadcast v17, $0x2;
	v20 =	vbroadcast v17, $0x3;
	v45 =	vld [tilespmem:s18+$0xEA80]  }
0xff: {  	v35 =	vbroadcast v17, $0x4;
	v34 =	vbroadcast v17, $0x5;
	v51 =	vld [tilespmem:s18+$0xE800]  }
0x100: {  	v33 =	vbroadcast v17, $0x6;
	v30 =	vbroadcast v17, $0x7;
	v54 =	vld [tilespmem:s18+$0xE880]  }
0x101: {  	v36 =	vbroadcast v17, $0x8;
	v37 =	vbroadcast v17, $0x9;
	v52 =	vld [tilespmem:s18+$0xCA00]  }
0x102: {  	v31 =	vbroadcast v17, $0xA;
	v28 =	vbroadcast v17, $0xB;
	v55 =	vld [tilespmem:s18+$0xCA80]  }
0x103: {  	v38 =	vbroadcast v17, $0xC;
	v39 =	vbroadcast v17, $0xD;
	v53 =	vld [tilespmem:s18+$0xC800]  }
0x104: {  	v29 =	vbroadcast v17, $0xE;
	v24 =	vbroadcast v17, $0xF;
	v56 =	vld [tilespmem:s18+$0xC880]  }
0x105: {  	v40 =	vbroadcast v16, $0x0;
	v41 =	vbroadcast v16, $0x1;
	v57 =	vld [tilespmem:s18+$0xAA00]  }
0x106: {  	v25 =	vbroadcast v16, $0x2;
	v19 =	vbroadcast v16, $0x3;
	v58 =	vld [tilespmem:s18+$0xAA80]  }
0x107: {  	v42 =	vbroadcast v16, $0x4;
	v43 =	vbroadcast v16, $0x5;
	v59 =	vld [tilespmem:s18+$0xA800]  }
0x108: {  	v21 =	vbroadcast v16, $0x6;
	v17 =	vbroadcast v16, $0x7;
	s17 =	simm.s32 $0x10800;
	v60 =	vld [tilespmem:s18+$0xA880]  }
0x109: {  	v46 =	vbroadcast v16, $0x8;
	v47 =	vbroadcast v16, $0x9;
	v50 =	vld [tilespmem:s17+$0x0]  }
0x10a: {  	v22 =	vbroadcast v16, $0xA;
	v18 =	vbroadcast v16, $0xB;
	v61 =	vld [tilespmem:s18+$0x8A00]  }
0x10b: {  	v48 =	vbroadcast v16, $0xC;
	v49 =	vbroadcast v16, $0xD;
	v8 =	vld [tilespmem:s18+$0x8880]  }
0x10c: {  	v23 =	vbroadcast v16, $0xE;
	v16 =	vbroadcast v16, $0xF;
	v63 =	vld [tilespmem:s18+$0x8A80]  }
0x10d: {  	s21 =	simm.s32 $0x10;
	s20 =	simm.s32 $0x0;
	v62 =	vld [tilespmem:s18+$0x8900];
	v44 =	vmul.f32 v44, v48;
	v45 =	vmul.f32 v45, v49  }
.LBB2_4:
0x10e: {  	p0 =	sne.s32 s21, $0x3F0;
	v9 =	vld [tilespmem:s18+$0x8B00];
	v51 =	vmul.f32 v51, v46;
	v54 =	vmul.f32 v54, v47  }
0x10f: {  	s0 =	sor.u32 s20, s19;
	v52 =	vmul.f32 v52, v42;
	v55 =	vmul.f32 v55, v43;
	s19 =	smov.u32 s21;
	v10 =	vld [tilespmem:s18+$0x8800]  }
0x110: {  	v53 =	vmul.f32 v53, v40;
	v56 =	vmul.f32 v56, v41;
	s0 =	sor.u32 $0x380, s0;
	v11 =	vld [tilespmem:s18+$0x8980]  }
0x111: {  	v57 =	vmul.f32 v57, v38;
	v58 =	vmul.f32 v58, v39;
	v12 =	vld [tilespmem:s0+$0x8800]  }
0x112: {  	v59 =	vmul.f32 v59, v36;
	v60 =	vmul.f32 v60, v37;
	v13 =	vld [tilespmem:s18+$0xA900]  }
0x113: {  	v61 =	vmul.f32 v61, v35;
	v8 =	vmul.f32 v8, v32;
	v14 =	vld [tilespmem:s18+$0xA980]  }
0x114: {  	v63 =	vmul.f32 v63, v34;
	v10 =	vmul.f32 v10, v26;
	v15 =	vld [tilespmem:s18+$0xAB00]  }
0x115: {  	v62 =	vmul.f32 v62, v27;
	v9 =	vmul.f32 v9, v33;
	v1 =	vld [tilespmem:s18+$0xAB80]  }
0x116: {  	v11 =	vmul.f32 v11, v20;
	v10 =	vadd.f32 v10, v50;
	v12 =	vmul.f32 v12, v30;
	v50 =	vld [tilespmem:s18+$0xC900]  }
0x117: {  	v8 =	vadd.f32 v63, v8;
	v9 =	vadd.f32 v9, v62;
	v13 =	vmul.f32 v13, v31;
	v62 =	vld [tilespmem:s18+$0xC980]  }
0x118: {  	v10 =	vadd.f32 v61, v10;
	v11 =	vadd.f32 v12, v11;
	v12 =	vmul.f32 v14, v28;
	v14 =	vld [tilespmem:s18+$0xCB00]  }
0x119: {  	v8 =	vadd.f32 v60, v8;
	v9 =	vadd.f32 v13, v9;
	v13 =	vmul.f32 v15, v29;
	v15 =	vld [tilespmem:s18+$0xCB80]  }
0x11a: {  	v10 =	vadd.f32 v59, v10;
	v11 =	vadd.f32 v12, v11;
	v1 =	vmul.f32 v1, v24;
	v12 =	vld [tilespmem:s18+$0xE900]  }
0x11b: {  	v8 =	vadd.f32 v58, v8;
	v9 =	vadd.f32 v13, v9;
	v13 =	vmul.f32 v50, v25;
	v50 =	vld [tilespmem:s18+$0xE980]  }
0x11c: {  	v10 =	vadd.f32 v57, v10;
	v1 =	vadd.f32 v1, v11;
	v11 =	vmul.f32 v62, v19;
	v57 =	vld [tilespmem:s18+$0xEB00]  }
0x11d: {  	v8 =	vadd.f32 v56, v8;
	v9 =	vadd.f32 v13, v9;
	v13 =	vmul.f32 v14, v21;
	v14 =	vld [tilespmem:s18+$0xEB80]  }
0x11e: {  	v10 =	vadd.f32 v53, v10;
	v1 =	vadd.f32 v11, v1;
	v11 =	vmul.f32 v15, v17  }
0x11f: {  	v8 =	vadd.f32 v55, v8;
	v9 =	vadd.f32 v13, v9;
	v12 =	vmul.f32 v12, v22  }
0x120: {  	v10 =	vadd.f32 v52, v10;
	v1 =	vadd.f32 v11, v1;
	v11 =	vmul.f32 v50, v18  }
0x121: {  	v8 =	vadd.f32 v54, v8;
	v9 =	vadd.f32 v12, v9;
	v12 =	vmul.f32 v57, v23  }
0x122: {  	v10 =	vadd.f32 v51, v10;
	v1 =	vadd.f32 v11, v1;
	v11 =	vmul.f32 v14, v16  }
0x123: {  	v8 =	vadd.f32 v45, v8;
	v9 =	vadd.f32 v12, v9  }
0x124: {  	v10 =	vadd.f32 v44, v10;
	v1 =	vadd.f32 v11, v1;
	_ =	sdelay $0x1  }
0x125: {  	v8 =	vadd.f32 v8, v10;
	v1 =	vadd.f32 v1, v9;
	_ =	sdelay $0x1  }
0x126: {  	s20 =	sadd.s32 $0x80, s20;
	v1 =	vadd.f32 v1, v8  }
0x127: {  	s1 =	sand.u32 $0x1C00, s20;
	s0 =	sand.u32 $0x70, s21  }
0x128: {  	s18 =	sor.u32 s0, s1;
	[tilespmem:s17+$0x0] =	vst v1  }
0x129: {  	v1 =	vld [tilespmem:s18+$0xEA00]  }
0x12a: {  	v9 =	vld [tilespmem:s18+$0xEA80]  }
0x12b: {  	v51 =	vld [tilespmem:s18+$0xE800]  }
0x12c: {  	v54 =	vld [tilespmem:s18+$0xE880]  }
0x12d: {  	v52 =	vld [tilespmem:s18+$0xCA00]  }
0x12e: {  	v55 =	vld [tilespmem:s18+$0xCA80]  }
0x12f: {  	v53 =	vld [tilespmem:s18+$0xC800]  }
0x130: {  	v56 =	vld [tilespmem:s18+$0xC880]  }
0x131: {  	v57 =	vld [tilespmem:s18+$0xAA00]  }
0x132: {  	v58 =	vld [tilespmem:s18+$0xAA80]  }
0x133: {  	v59 =	vld [tilespmem:s18+$0xA800]  }
0x134: {  	s17 =	sadd.s32 $0x10, s17;
	v60 =	vld [tilespmem:s18+$0xA880]  }
.Ltmp1:
0x135: {  	v50 =	vld [tilespmem:s17+$0x0];
	(pc) =	sbr.rel @p0 .LBB2_4-.Ltmp1, $4  }
0x136: {  	v61 =	vld [tilespmem:s18+$0x8A00]  }
0x137: {  	v8 =	vld [tilespmem:s18+$0x8880]  }
0x138: {  	v63 =	vld [tilespmem:s18+$0x8A80]  }
0x139: {  	s21 =	sadd.s32 $0x10, s21;
	v44 =	vmul.f32 v1, v48;
	v45 =	vmul.f32 v9, v49;
	v62 =	vld [tilespmem:s18+$0x8900]  }
0x13a: {  	v1 =	vld [tilespmem:s18+$0x8B00];
	v9 =	vmul.f32 v51, v46;
	v10 =	vmul.f32 v54, v47  }
0x13b: {  	v11 =	vld [tilespmem:s18+$0x8800];
	s0 =	sor.u32 s20, s19;
	v12 =	vmul.f32 v52, v42;
	v13 =	vmul.f32 v55, v43  }
0x13c: {  	v14 =	vld [tilespmem:s18+$0x8980];
	v15 =	vmul.f32 v53, v40;
	v40 =	vmul.f32 v56, v41;
	s0 =	sor.u32 $0x380, s0  }
0x13d: {  	v38 =	vmul.f32 v57, v38;
	v39 =	vmul.f32 v58, v39;
	v56 =	vld [tilespmem:s0+$0x8800]  }
0x13e: {  	v36 =	vmul.f32 v59, v36;
	v37 =	vmul.f32 v60, v37;
	v60 =	vld [tilespmem:s18+$0xA900]  }
0x13f: {  	v46 =	vld [tilespmem:s18+$0xA980];
	v43 =	vmul.f32 v61, v35;
	v8 =	vmul.f32 v8, v32  }
0x140: {  	v48 =	vld [tilespmem:s18+$0xAB00];
	v47 =	vmul.f32 v63, v34;
	v11 =	vmul.f32 v11, v26  }
0x141: {  	v49 =	vld [tilespmem:s18+$0xAB80];
	v27 =	vmul.f32 v62, v27;
	v1 =	vmul.f32 v1, v33  }
0x142: {  	v52 =	vld [tilespmem:s18+$0xC900];
	v14 =	vmul.f32 v14, v20;
	v11 =	vadd.f32 v11, v50;
	v51 =	vmul.f32 v56, v30  }
0x143: {  	v54 =	vld [tilespmem:s18+$0xC980];
	v8 =	vadd.f32 v47, v8;
	v53 =	vmul.f32 v60, v31;
	v1 =	vadd.f32 v1, v27  }
0x144: {  	v55 =	vmul.f32 v46, v28;
	v56 =	vld [tilespmem:s18+$0xCB00];
	v11 =	vadd.f32 v43, v11;
	v14 =	vadd.f32 v51, v14  }
0x145: {  	v58 =	vld [tilespmem:s18+$0xCB80];
	v57 =	vmul.f32 v48, v29;
	v8 =	vadd.f32 v37, v8;
	v1 =	vadd.f32 v53, v1  }
0x146: {  	v59 =	vmul.f32 v49, v24;
	v60 =	vld [tilespmem:s18+$0xE900];
	v11 =	vadd.f32 v36, v11;
	v14 =	vadd.f32 v55, v14  }
0x147: {  	v61 =	vld [tilespmem:s18+$0xE980];
	v25 =	vmul.f32 v52, v25;
	v8 =	vadd.f32 v39, v8;
	v1 =	vadd.f32 v57, v1  }
0x148: {  	v62 =	vld [tilespmem:s18+$0xEB00];
	v19 =	vmul.f32 v54, v19;
	v11 =	vadd.f32 v38, v11;
	v14 =	vadd.f32 v59, v14  }
0x149: {  	v63 =	vld [tilespmem:s18+$0xEB80];
	v8 =	vadd.f32 v40, v8;
	v21 =	vmul.f32 v56, v21;
	v1 =	vadd.f32 v25, v1  }
0x14a: {  	v11 =	vadd.f32 v15, v11;
	v14 =	vadd.f32 v19, v14;
	v15 =	vmul.f32 v58, v17  }
0x14b: {  	v8 =	vadd.f32 v13, v8;
	v13 =	vmul.f32 v60, v22;
	v1 =	vadd.f32 v21, v1  }
0x14c: {  	v11 =	vadd.f32 v12, v11;
	v12 =	vadd.f32 v15, v14;
	v14 =	vmul.f32 v61, v18  }
0x14d: {  	v8 =	vadd.f32 v10, v8;
	v10 =	vmul.f32 v62, v23;
	v1 =	vadd.f32 v13, v1  }
0x14e: {  	v9 =	vadd.f32 v9, v11;
	v11 =	vadd.f32 v14, v12;
	v12 =	vmul.f32 v63, v16  }
0x14f: {  	v8 =	vadd.f32 v45, v8;
	v1 =	vadd.f32 v10, v1  }
0x150: {  	v9 =	vadd.f32 v44, v9;
	v10 =	vadd.f32 v12, v11;
	_ =	sdelay $0x1  }
0x151: {  	v8 =	vadd.f32 v8, v9;
	v1 =	vadd.f32 v10, v1;
	_ =	sdelay $0x1  }
0x152: {  	v1 =	vadd.f32 v1, v8  }
0x153: {  	s30 =	rddreg [dreg:$0x8]  }
0x154: {  	s1 =	simm.s32 $0x80;
	s2 =	simm.s32 $0x400;
	s5 =	simm.s32 $0x10800;
	[tilespmem:s17+$0x0] =	vst v1  }
0x155: {  	[hbm4b:s30+s1] =	stream.strided.scatter [tilespmem:s5], [sflag:$0x3], $0x400, s2, s1, $0x38;
	[tilespmem:$0x10C00] =	vst v63  }
0x156: {  	_ =	swait.ge [sflag:s12], $0x400  }
0x157: {  	v1 =	vld [tilespmem:$0x1FF70]  }
0x158: {  	v9 =	vld [tilespmem:$0x1FF80]  }
0x159: {  	s16 =	sadd.s32 $0x1, s16;
	s31 =	rddreg [dreg:$0x9];
	v10 =	vld [tilespmem:$0x1FF90]  }
0x15a: {  	v11 =	vld [tilespmem:$0x1FFA0];
	p0 =	sne.s32 s16, s31  }
.Ltmp2:
0x15b: {  	v12 =	vld [tilespmem:$0x1FFB0];
	(pc) =	sbr.rel @p0 .LBB2_1-.Ltmp2, $4  }
0x15c: {  	v13 =	vld [tilespmem:$0x1FFC0]  }
0x15d: {  	v14 =	vld [tilespmem:$0x1FFD0]  }
0x15e: {  	[sflag:s12] =	ssyncset.done $0x0;
	v15 =	vld [tilespmem:$0x1FFE0]  }
0x15f: {  	v33 =	vld [tilespmem:$0x1FFF0];
	[sflag:s12] =	ssyncadd.s32 $0xFFFFFC00  }
0x160: {  	_ =	sfence.sel $0x180000  }
0x161: {  	[bflag:$0x0] =	sbarrier.arrive $0xFFFF  }
0x162: {  	_ =	strace $0x90000047  }
0x163: {  	s0 =	stileid.u32;
	[bflag:$0x2] =	sbarrier.arrive $0xFFFF  }
0x164: {  	p0 =	sne.s32 s0, $0x0;
	s0 =	rddreg [dreg:$0x4]  }
0x165: {  	s0 =	sadd.s32 @!p0 $0x100000, s0  }
0x166: {  	[sflag:s0] =	ssyncadd.tile.s32 @!p0 $0x1;
	_ =	shalt  }
.Lfunc_end2:
_tile_overlayer_lowered:
.L_overlay_start_2:
0x167: {  	(tag) =	ssettag $0x2  }
0x168: {  	s0 =	rddreg [dreg:$0x0];
	s2 =	stileid.u32  }
0x169: {  	s1 =	rddreg [dreg:$0x1];
	p0 =	sne.s32 s2, $0x0  }
0x16a: {  	s3 =	rddreg [dreg:$0x2];
	[bflag:$0x3] =	sbarrier.arrive $0xFFFF;
	s2 =	simm.s32 @!p0 $0x1C03  }
0x16b: {  	[timem:s3], [sflag:s2] =	dma.local @!p0 [hbm:s0], s1  }
0x16c: {  	s0 =	simm.s32 @!p0 $0x3  }
0x16d: {  	_ =	swait.ge @!p0 [sflag:s0], s1  }
0x16e: {  	s1 =	ssub.s32 @!p0 $0x0, s1;
	[sflag:s0] =	ssyncset.done @!p0 $0x0  }
0x16f: {  	[sflag:s0] =	ssyncadd.s32 @!p0 s1  }
0x170: {  	[bflag:$0x3] =	sbarrier.arrive $0xFFFF  }
0x171: {  	_ =	shalt  }

</sc_bundles>
